<compile_context>
chip_gen: v7x
topology: tpu7x:2x2x1
jax: 0.10.2.dev20260603
libtpu: 0.0.44.dev20260713+nightly
codegen_flags: <defaults>
</compile_context>

<pallas_src>
import jax
import jax.numpy as jnp
from jax import lax
from jax.experimental import pallas as pl
from jax.experimental.pallas import tpu as pltpu
from jax.experimental.pallas import tpu_sc as plsc

B, C, H, W = 128, 7, 128, 128
NC, NS = 2, 16
NW = NC * NS
SPW = B // NW
RING_W = 0.2 ** 4
BBLK = 64
GRID = B // BBLK


def _trunc(v):
    r = v.astype(jnp.int32)
    return r - (r.astype(jnp.float32) > v).astype(jnp.int32)


def _sc_gather_body(rows_hbm, gt_hbm, out_hbm, gt_v, idx_v, rows_v, out_v, sem):
    wid = lax.axis_index("s") * NC + lax.axis_index("c")
    base = wid * SPW
    pltpu.sync_copy(gt_hbm.at[pl.ds(base * 6, 6 * SPW)], gt_v.at[pl.ds(0, 6 * SPW)])
    lanes = lax.iota(jnp.int32, 16)
    in9 = lanes < 9
    dy = jnp.where(in9, lanes // 3 - 1, 0)
    dx = jnp.where(in9, lanes % 3 - 1, 0)
    rsel0 = jnp.where(in9, lanes // 3, jnp.clip(lanes - 6, 0, 15))

    def _build(i, _):
        b = base + i
        grow = gt_v[pl.ds(6 * i, 16)]
        cx = _trunc(grow[1])
        cy = _trunc(grow[2])
        cyc = jnp.clip(cy, 0, H - 1)
        hm_row = b * (C * H) + jnp.clip(cy - 1 + lanes, 0, H - 1)
        reg_row = (b * C + (lanes - 2)) * H + cyc
        row = jnp.where(lanes < 3, hm_row,
                        jnp.where(lanes < 9, reg_row, b * (C * H)))
        idx_v[pl.ds(16 * i, 16)] = row
        return 0

    lax.fori_loop(0, SPW, _build, 0)
    pltpu.async_copy(rows_hbm.at[idx_v], rows_v, sem).wait()

    def _pick(i, _):
        grow = gt_v[pl.ds(6 * i, 16)]
        cx = _trunc(grow[1])
        cy = _trunc(grow[2])
        cxv = jnp.broadcast_to(cx, (16,))
        cyv = jnp.broadcast_to(cy, (16,))
        y = cyv + dy
        x = cxv + dx
        bounds_ok = (y >= 0) & (y < H) & (x >= 0) & (x < W)
        cent_ok = (cxv >= 0) & (cxv < W) & (cyv >= 0) & (cyv < H)
        mask = bounds_ok & cent_ok & (lanes < 15)
        rsel = 16 * i + rsel0
        csel = jnp.clip(x, 0, W - 1)
        g = plsc.load_gather(rows_v, [rsel, csel], mask=mask)
        out_v[i, :] = g * mask.astype(jnp.float32)
        return 0

    lax.fori_loop(0, SPW, _pick, 0)
    pltpu.sync_copy(out_v, out_hbm.at[pl.ds(base, SPW), :])


def _sc_gather(preds_rows, gt_flat):
    mesh = plsc.VectorSubcoreMesh(
        core_axis_name="c", subcore_axis_name="s",
        num_cores=NC, num_subcores=NS)
    return pl.kernel(
        _sc_gather_body,
        out_type=jax.ShapeDtypeStruct((B, 16), jnp.float32),
        mesh=mesh,
        compiler_params=pltpu.CompilerParams(needs_layout_passes=False),
        scratch_types=[
            pltpu.VMEM((40,), jnp.float32),
            pltpu.VMEM((16 * SPW,), jnp.int32),
            pltpu.VMEM((16 * SPW, W), jnp.float32),
            pltpu.VMEM((SPW, 16), jnp.float32),
            pltpu.SemaphoreType.DMA,
        ],
    )(preds_rows, gt_flat)


def _dense_body(preds_ref, out_acc, acc):
    step = pl.program_id(0)

    @pl.when(step == 0)
    def _():
        acc[0] = 0.0

    x = preds_ref[...]
    u = jnp.exp(x)
    d = 1.0 + u
    p = u / d
    term = jnp.log(d) * (p * p)
    acc[0] += jnp.sum(term)

    @pl.when(step == GRID - 1)
    def _():
        out_acc[0, 0] = -acc[0]


def _dense_sum(preds):
    return pl.pallas_call(
        _dense_body,
        grid=(GRID,),
        in_specs=[pl.BlockSpec((BBLK, 1, H, W), lambda b: (b, 0, 0, 0))],
        out_specs=pl.BlockSpec(memory_space=pltpu.SMEM),
        out_shape=jax.ShapeDtypeStruct((1, 1), jnp.float32),
        scratch_shapes=[pltpu.SMEM((1,), jnp.float32)],
    )(preds)


def _combine_body(acc_ref, g_ref, gt_ref, out_total, out_hm, out_reg):
    g = g_ref[...]
    gt = gt_ref[...]
    cxf = gt[:, 1:2]
    cyf = gt[:, 2:3]
    cx = cxf.astype(jnp.int32)
    cy = cyf.astype(jnp.int32)
    valid = (cx >= 0) & (cx < W) & (cy >= 0) & (cy < H)
    lane = lax.broadcasted_iota(jnp.int32, (1, 9), 1)
    yy = cy + (lane // 3 - 1)
    xx = cx + (lane % 3 - 1)
    lane_ok = (yy >= 0) & (yy < H) & (xx >= 0) & (xx < W) & valid
    x9 = g[:, 0:9]
    p9 = jax.nn.sigmoid(x9)
    negt = jnp.log(1.0 - p9) * p9 * p9
    is_center = lane == 4
    neg_corr = jnp.where(is_center, -negt, (RING_W - 1.0) * negt)
    neg_corr = jnp.where(lane_ok, neg_corr, 0.0)
    one_m_p = 1.0 - p9
    pos_t = jnp.log(p9) * one_m_p * one_m_p
    pos_loss = jnp.sum(jnp.where(is_center & lane_ok, pos_t, 0.0))
    neg_loss = acc_ref[0, 0] + jnp.sum(neg_corr)
    num_pos = jnp.sum(valid.astype(jnp.float32))
    loss_hm = jnp.where(
        num_pos == 0.0, -neg_loss,
        -(pos_loss + neg_loss) / jnp.maximum(num_pos, 1.0))

    vf = valid.astype(jnp.float32)
    pr = g[:, 9:15]
    d0 = jnp.abs(pr[:, 0:1] - (cxf - cx.astype(jnp.float32)))
    d1 = jnp.abs(pr[:, 1:2] - (cyf - cy.astype(jnp.float32)))
    d2 = jnp.abs(pr[:, 2:3] - jnp.log(gt[:, 3:4]))
    d3 = jnp.abs(pr[:, 3:4] - jnp.log(gt[:, 4:5]))
    d4 = jnp.abs(pr[:, 4:5] - jnp.sin(gt[:, 5:6]))
    d5 = jnp.abs(pr[:, 5:6] - jnp.cos(gt[:, 5:6]))
    reg_sum = jnp.sum((d0 + d1 + d2 + d3 + d4 + d5) * vf)
    loss_reg = reg_sum / (num_pos + 0.0001)

    out_hm[0, 0] = loss_hm
    out_reg[0, 0] = loss_reg
    out_total[0, 0] = loss_hm + 2.0 * loss_reg


def _combine(acc, gathered, gt_boxes):
    f32 = jnp.float32
    return pl.pallas_call(
        _combine_body,
        in_specs=[
            pl.BlockSpec(memory_space=pltpu.SMEM),
            pl.BlockSpec((B, 16), lambda: (0, 0)),
            pl.BlockSpec((B, 6), lambda: (0, 0)),
        ],
        out_specs=[
            pl.BlockSpec(memory_space=pltpu.SMEM),
            pl.BlockSpec(memory_space=pltpu.SMEM),
            pl.BlockSpec(memory_space=pltpu.SMEM),
        ],
        out_shape=[jax.ShapeDtypeStruct((1, 1), f32)] * 3,
    )(acc, gathered, gt_boxes)


def kernel(preds, gt_boxes):
    preds_rows = preds.reshape(B * C * H, W)
    gt_flat = gt_boxes.reshape(B * 6)
    gathered = _sc_gather(preds_rows, gt_flat)
    acc = _dense_sum(preds)
    total, loss_hm, loss_reg = _combine(acc, gathered, gt_boxes)
    return (total[0, 0], loss_hm[0, 0], loss_reg[0, 0])

# --- scband reference (transcript-rebuilt; emitter-appended) ---
"""Pipeline reference for scband-center-head-loss-25812753449888 (READ-ONLY COPY).

The authoritative reference and input builder live on the scoring server;
editing this copy changes nothing except your own understanding.
"""

import jax, jax.numpy as jnp
import numpy as np


def setup_inputs(seed: int = 0) -> dict:
    key = jax.random.key(seed)
    k1, k2 = jax.random.split(key)
    B, C, H, W = 128, 7, 128, 128
    preds = jax.random.normal(k1, (B, C, H, W), dtype=jnp.float32)
    u = jax.random.uniform(k2, (B, 6), dtype=jnp.float32)
    # columns: [cls, x, y, w, l, yaw]; scale rand to realistic in-grid ranges
    scale = jnp.array([3.0, 127.0, 127.0, 19.0, 19.0, 2.0 * np.pi], dtype=jnp.float32)
    offset = jnp.array([0.0, 0.0, 0.0, 1.0, 1.0, -np.pi], dtype=jnp.float32)
    gt_boxes = u * scale + offset
    return {"preds": preds, "gt_boxes": gt_boxes}


def _build_targets(gt, B, H, W):
    cxf = gt[:, 1]
    cyf = gt[:, 2]
    cx = cxf.astype(jnp.int32)
    cy = cyf.astype(jnp.int32)
    valid = ((cx >= 0) & (cx < W) & (cy >= 0) & (cy < H))
    vf = valid.astype(jnp.float32)[:, None, None]
    xs = jnp.arange(W, dtype=jnp.int32)[None, None, :]
    ys = jnp.arange(H, dtype=jnp.int32)[None, :, None]
    dx = xs - cx[:, None, None]
    dy = ys - cy[:, None, None]
    near = (jnp.abs(dx) <= 1) & (jnp.abs(dy) <= 1)
    center = (dx == 0) & (dy == 0)
    hm = jnp.where(near, jnp.where(center, 1.0, 0.8), 0.0).astype(jnp.float32) * vf
    target_hm = hm[:, None, :, :]
    at = center.astype(jnp.float32) * vf
    vals = jnp.stack(
        [
            cxf - cx.astype(jnp.float32),
            cyf - cy.astype(jnp.float32),
            jnp.log(gt[:, 3]),
            jnp.log(gt[:, 4]),
            jnp.sin(gt[:, 5]),
            jnp.cos(gt[:, 5]),
        ],
        axis=1,
    )
    target_reg = vals[:, :, None, None] * at[:, None, :, :]
    mask = at[:, None, :, :]
    return target_hm, target_reg, mask


def _gaussian_focal_loss(pred, target):
    pos = (target == 1.0).astype(pred.dtype)
    neg = (target < 1.0).astype(pred.dtype)
    neg_weights = jnp.power(1.0 - target, 4) * neg
    pos_loss = jnp.sum(jnp.log(pred) * jnp.power(1.0 - pred, 2) * pos)
    neg_loss = jnp.sum(jnp.log(1.0 - pred) * jnp.power(pred, 2) * neg_weights)
    num_pos = jnp.sum(pos)
    return jnp.where(num_pos == 0, -neg_loss, -(pos_loss + neg_loss) / jnp.maximum(num_pos, 1.0))


def reference(preds, gt_boxes):
    B, C, H, W = preds.shape
    pred_hm = jax.nn.sigmoid(preds[:, 0:1])
    pred_reg = preds[:, 1:]
    target_hm, target_reg, mask = _build_targets(gt_boxes, B, H, W)
    loss_hm = _gaussian_focal_loss(pred_hm, target_hm)
    loss_reg = jnp.sum(jnp.abs(pred_reg * mask - target_reg * mask)) / (jnp.sum(mask) + 0.0001)
    total = loss_hm + 2.0 * loss_reg
    return (total, loss_hm, loss_reg)

if __name__ == "__main__":
    import jax
    _d = setup_inputs()
    print(jax.jit(kernel)(*tuple(_d.values())))

</pallas_src>

<mosaic_0001>
#map = affine_map<(d0, d1) -> (0, 0)>
#map1 = affine_map<(d0, d1) -> (0)>
module attributes {stable_mosaic.version = 14 : i64} {
  func.func @_sc_gather_body(%arg0: i32, %arg1: i32, %arg2: memref<114688x128xf32, #tpu.memory_space<hbm>>, %arg3: memref<768xf32, #tpu.memory_space<hbm>>, %arg4: memref<128x16xf32, #tpu.memory_space<hbm>>, %arg5: memref<40xf32, #tpu.memory_space<vmem>>, %arg6: memref<64xi32, #tpu.memory_space<vmem>>, %arg7: memref<64x128xf32, #tpu.memory_space<vmem>>, %arg8: memref<4x16xf32, #tpu.memory_space<vmem>>, %arg9: memref<!tpu.dma_semaphore, #tpu.memory_space<semaphore_mem>>) attributes {dimension_semantics = [#tpu.dimension_semantics<core_parallel>, #tpu.dimension_semantics<subcore_parallel>], iteration_bounds = array<i64: 2, 16>, scalar_prefetch = 0 : i64, scratch_operands = 5 : i64, tpu.core_type = #tpu.core_type<sc_vector_subcore>, window_params = [{transform_indices = #map}, {transform_indices = #map1}, {transform_indices = #map}]} {
    %mul3A = arith.constant 2 : i32
    %mul3A_0 = arith.muli %arg1, %mul3A : i32
    %add3A = arith.addi %mul3A_0, %arg0 : i32
    %mul3A_1 = arith.constant 4 : i32
    %mul3A_2 = arith.muli %add3A, %mul3A_1 : i32
    %mul3A_3 = arith.constant 6 : i32
    %mul3A_4 = arith.muli %mul3A_2, %mul3A_3 : i32
    "tpu.region"() ({
      %run_scoped3A = tpu.sem_alloc : memref<!tpu.dma_semaphore, #tpu.memory_space<semaphore_mem>>
      %dma_start3A_118 = arith.constant 0 : i32
      %dma_start3A_119 = tpu.memref_slice %arg5[%dma_start3A_118] : memref<40xf32, #tpu.memory_space<vmem>> -> memref<24xf32, #tpu.memory_space<vmem>>
      %dma_start3A_120 = tpu.memref_slice %arg3[%mul3A_4] : memref<768xf32, #tpu.memory_space<hbm>> -> memref<24xf32, #tpu.memory_space<hbm>>
      %dma_start3A_121 = arith.constant 0 : i32
      %dma_start3A_122 = tpu.memref_slice %arg5[%dma_start3A_121] : memref<40xf32, #tpu.memory_space<vmem>> -> memref<24xf32, #tpu.memory_space<vmem>>
      %dma_start3A_123 = tpu.memref_slice %arg3[%mul3A_4] : memref<768xf32, #tpu.memory_space<hbm>> -> memref<24xf32, #tpu.memory_space<hbm>>
      tpu.enqueue_dma source(%dma_start3A_123 : memref<24xf32, #tpu.memory_space<hbm>>) target(%dma_start3A_122 : memref<24xf32, #tpu.memory_space<vmem>>) target_semaphore(%run_scoped3A : memref<!tpu.dma_semaphore, #tpu.memory_space<semaphore_mem>>)
      %dma_wait3A_124 = arith.constant 0 : i32
      %dma_wait3A_125 = tpu.memref_slice %arg5[%dma_wait3A_124] : memref<40xf32, #tpu.memory_space<vmem>> -> memref<24xf32, #tpu.memory_space<vmem>>
      %dma_wait3A_126 = tpu.memref_slice %arg3[%mul3A_4] : memref<768xf32, #tpu.memory_space<hbm>> -> memref<24xf32, #tpu.memory_space<hbm>>
      %dma_wait3A_127 = arith.constant 0 : i32
      %dma_wait3A_128 = tpu.memref_slice %arg5[%dma_wait3A_127] : memref<40xf32, #tpu.memory_space<vmem>> -> memref<24xf32, #tpu.memory_space<vmem>>
      %dma_wait3A_129 = tpu.memref_slice %arg3[%mul3A_4] : memref<768xf32, #tpu.memory_space<hbm>> -> memref<24xf32, #tpu.memory_space<hbm>>
      tpu.wait_dma2 semaphore(%run_scoped3A : memref<!tpu.dma_semaphore, #tpu.memory_space<semaphore_mem>>) src(%dma_wait3A_129 : memref<24xf32, #tpu.memory_space<hbm>>) dst(%dma_wait3A_128 : memref<24xf32, #tpu.memory_space<vmem>>)
      tpu.yield
    }) : () -> ()
    %iota3A = tpu.iota {dimensions = array<i32: 0>} : vector<16xi32>
    %lt3A = arith.constant 9 : i32
    %lt3A_5 = vector.broadcast %lt3A : i32 to vector<16xi32>
    %lt3A_6 = arith.cmpi slt, %iota3A, %lt3A_5 : vector<16xi32>
    %jit3A = arith.constant 3 : i32
    %div3A = vector.broadcast %jit3A : i32 to vector<16xi32>
    %div3A_7 = arith.divsi %iota3A, %div3A : vector<16xi32>
    %sign3A = arith.constant 0 : i32
    %sign3A_8 = vector.broadcast %sign3A : i32 to vector<16xi32>
    %sign3A_9 = arith.cmpi sgt, %iota3A, %sign3A_8 : vector<16xi32>
    %sign3A_10 = arith.extui %sign3A_9 : vector<16xi1> to vector<16xi32>
    %sign3A_11 = arith.constant 0 : i32
    %sign3A_12 = vector.broadcast %sign3A_11 : i32 to vector<16xi32>
    %sign3A_13 = arith.cmpi slt, %iota3A, %sign3A_12 : vector<16xi32>
    %sign3A_14 = arith.extui %sign3A_13 : vector<16xi1> to vector<16xi32>
    %sign3A_15 = arith.subi %sign3A_10, %sign3A_14 : vector<16xi32>
    %sign3A_16 = arith.constant 0 : i32
    %sign3A_17 = arith.cmpi sgt, %jit3A, %sign3A_16 : i32
    %sign3A_18 = arith.extui %sign3A_17 : i1 to i32
    %sign3A_19 = arith.constant 0 : i32
    %sign3A_20 = arith.cmpi slt, %jit3A, %sign3A_19 : i32
    %sign3A_21 = arith.extui %sign3A_20 : i1 to i32
    %sign3A_22 = arith.subi %sign3A_18, %sign3A_21 : i32
    %ne3A = vector.broadcast %sign3A_22 : i32 to vector<16xi32>
    %ne3A_23 = arith.cmpi ne, %sign3A_15, %ne3A : vector<16xi32>
    %rem3A = vector.broadcast %jit3A : i32 to vector<16xi32>
    %rem3A_24 = arith.remsi %iota3A, %rem3A : vector<16xi32>
    %ne3A_25 = arith.constant 0 : i32
    %ne3A_26 = vector.broadcast %ne3A_25 : i32 to vector<16xi32>
    %ne3A_27 = arith.cmpi ne, %rem3A_24, %ne3A_26 : vector<16xi32>
    %and3A = arith.andi %ne3A_23, %ne3A_27 : vector<16xi1>
    %sub3A = arith.constant 1 : i32
    %sub3A_28 = vector.broadcast %sub3A : i32 to vector<16xi32>
    %sub3A_29 = arith.subi %div3A_7, %sub3A_28 : vector<16xi32>
    %select_n3A = arith.select %and3A, %sub3A_29, %div3A_7 : vector<16xi1>, vector<16xi32>
    %sub3A_30 = arith.constant 1 : i32
    %sub3A_31 = vector.broadcast %sub3A_30 : i32 to vector<16xi32>
    %sub3A_32 = arith.subi %select_n3A, %sub3A_31 : vector<16xi32>
    %jit3A_33 = arith.constant 0 : i32
    %broadcast_in_dim3A = vector.broadcast %jit3A_33 : i32 to vector<16xi32>
    %select_n3A_34 = arith.select %lt3A_6, %sub3A_32, %broadcast_in_dim3A : vector<16xi1>, vector<16xi32>
    %jit3A_35 = arith.constant 3 : i32
    %eq3A = arith.constant 0 : i32
    %eq3A_36 = arith.cmpi eq, %jit3A_35, %eq3A : i32
    %jit3A_37 = arith.constant 1 : i32
    %select_n3A_38 = arith.select %eq3A_36, %jit3A_37, %jit3A_35 : i32
    %rem3A_39 = vector.broadcast %select_n3A_38 : i32 to vector<16xi32>
    %rem3A_40 = arith.remsi %iota3A, %rem3A_39 : vector<16xi32>
    %ne3A_41 = arith.constant 0 : i32
    %ne3A_42 = vector.broadcast %ne3A_41 : i32 to vector<16xi32>
    %ne3A_43 = arith.cmpi ne, %rem3A_40, %ne3A_42 : vector<16xi32>
    %lt3A_44 = arith.constant 0 : i32
    %lt3A_45 = vector.broadcast %lt3A_44 : i32 to vector<16xi32>
    %lt3A_46 = arith.cmpi slt, %rem3A_40, %lt3A_45 : vector<16xi32>
    %lt3A_47 = arith.constant 0 : i32
    %lt3A_48 = arith.cmpi slt, %select_n3A_38, %lt3A_47 : i32
    %ne3A_49 = vector.broadcast %lt3A_48 : i1 to vector<16xi1>
    %ne3A_50 = vector.broadcast %ne3A_49 : vector<16xi1> to vector<16xi1>
    %ne3A_51 = arith.xori %lt3A_46, %ne3A_50 : vector<16xi1>
    %and3A_52 = arith.andi %ne3A_51, %ne3A_43 : vector<16xi1>
    %add3A_53 = vector.broadcast %select_n3A_38 : i32 to vector<16xi32>
    %add3A_54 = arith.addi %rem3A_40, %add3A_53 : vector<16xi32>
    %select_n3A_55 = arith.select %and3A_52, %add3A_54, %rem3A_40 : vector<16xi1>, vector<16xi32>
    %sub3A_56 = arith.constant 1 : i32
    %sub3A_57 = vector.broadcast %sub3A_56 : i32 to vector<16xi32>
    %sub3A_58 = arith.subi %select_n3A_55, %sub3A_57 : vector<16xi32>
    %jit3A_59 = arith.constant 0 : i32
    %broadcast_in_dim3A_60 = vector.broadcast %jit3A_59 : i32 to vector<16xi32>
    %select_n3A_61 = arith.select %lt3A_6, %sub3A_58, %broadcast_in_dim3A_60 : vector<16xi1>, vector<16xi32>
    %jit3A_62 = arith.constant 3 : i32
    %div3A_63 = vector.broadcast %jit3A_62 : i32 to vector<16xi32>
    %div3A_64 = arith.divsi %iota3A, %div3A_63 : vector<16xi32>
    %sign3A_65 = arith.constant 0 : i32
    %sign3A_66 = vector.broadcast %sign3A_65 : i32 to vector<16xi32>
    %sign3A_67 = arith.cmpi sgt, %iota3A, %sign3A_66 : vector<16xi32>
    %sign3A_68 = arith.extui %sign3A_67 : vector<16xi1> to vector<16xi32>
    %sign3A_69 = arith.constant 0 : i32
    %sign3A_70 = vector.broadcast %sign3A_69 : i32 to vector<16xi32>
    %sign3A_71 = arith.cmpi slt, %iota3A, %sign3A_70 : vector<16xi32>
    %sign3A_72 = arith.extui %sign3A_71 : vector<16xi1> to vector<16xi32>
    %sign3A_73 = arith.subi %sign3A_68, %sign3A_72 : vector<16xi32>
    %sign3A_74 = arith.constant 0 : i32
    %sign3A_75 = arith.cmpi sgt, %jit3A_62, %sign3A_74 : i32
    %sign3A_76 = arith.extui %sign3A_75 : i1 to i32
    %sign3A_77 = arith.constant 0 : i32
    %sign3A_78 = arith.cmpi slt, %jit3A_62, %sign3A_77 : i32
    %sign3A_79 = arith.extui %sign3A_78 : i1 to i32
    %sign3A_80 = arith.subi %sign3A_76, %sign3A_79 : i32
    %ne3A_81 = vector.broadcast %sign3A_80 : i32 to vector<16xi32>
    %ne3A_82 = arith.cmpi ne, %sign3A_73, %ne3A_81 : vector<16xi32>
    %rem3A_83 = vector.broadcast %jit3A_62 : i32 to vector<16xi32>
    %rem3A_84 = arith.remsi %iota3A, %rem3A_83 : vector<16xi32>
    %ne3A_85 = arith.constant 0 : i32
    %ne3A_86 = vector.broadcast %ne3A_85 : i32 to vector<16xi32>
    %ne3A_87 = arith.cmpi ne, %rem3A_84, %ne3A_86 : vector<16xi32>
    %and3A_88 = arith.andi %ne3A_82, %ne3A_87 : vector<16xi1>
    %sub3A_89 = arith.constant 1 : i32
    %sub3A_90 = vector.broadcast %sub3A_89 : i32 to vector<16xi32>
    %sub3A_91 = arith.subi %div3A_64, %sub3A_90 : vector<16xi32>
    %select_n3A_92 = arith.select %and3A_88, %sub3A_91, %div3A_64 : vector<16xi1>, vector<16xi32>
    %sub3A_93 = arith.constant 6 : i32
    %sub3A_94 = vector.broadcast %sub3A_93 : i32 to vector<16xi32>
    %sub3A_95 = arith.subi %iota3A, %sub3A_94 : vector<16xi32>
    %jit3A_96 = arith.constant 0 : i32
    %jit3A_97 = arith.constant 15 : i32
    %max3A = vector.broadcast %jit3A_96 : i32 to vector<16xi32>
    %max3A_98 = arith.maxsi %max3A, %sub3A_95 : vector<16xi32>
    %min3A = vector.broadcast %jit3A_97 : i32 to vector<16xi32>
    %min3A_99 = arith.minsi %min3A, %max3A_98 : vector<16xi32>
    %select_n3A_100 = arith.select %lt3A_6, %select_n3A_92, %min3A_99 : vector<16xi1>, vector<16xi32>
    %scan3A = arith.constant 0 : i32
    %scan3A_101 = arith.constant 0 : i32
    %scan3A_102 = arith.constant 4 : i32
    %scan3A_103 = arith.addi %scan3A_101, %scan3A_102 : i32
    %scan3A_104 = arith.constant 1 : i32
    %scan3A_105 = scf.for %scan3A_118 = %scan3A_101 to %scan3A_103 step %scan3A_104 iter_args(%scan3A_119 = %scan3A) -> (i32)  : i32 {
      %add3A_120 = arith.addi %mul3A_2, %scan3A_118 : i32
      %mul3A_121 = arith.constant 6 : i32
      %mul3A_122 = arith.muli %mul3A_121, %scan3A_118 : i32
      %get3A = arith.index_cast %mul3A_122 : i32 to index
      %get3A_123 = tpu.vector_load %arg5[%get3A] {strides = array<i32>} : memref<40xf32, #tpu.memory_space<vmem>>, vector<16xf32>,
      %slice3A = vector.extract_strided_slice %get3A_123 {offsets = [1], sizes = [1], strides = [1]} : vector<16xf32> to vector<1xf32>
      %squeeze3A = vector.extract %slice3A[0] : f32 from vector<1xf32>
      %convert_element_type3A = arith.fptosi %squeeze3A : f32 to i32
      %convert_element_type3A_124 = arith.sitofp %convert_element_type3A : i32 to f32
      %gt3A = arith.cmpf ogt, %convert_element_type3A_124, %squeeze3A : f32
      %convert_element_type3A_125 = arith.extui %gt3A : i1 to i32
      %sub3A_126 = arith.subi %convert_element_type3A, %convert_element_type3A_125 : i32
      %slice3A_127 = vector.extract_strided_slice %get3A_123 {offsets = [2], sizes = [1], strides = [1]} : vector<16xf32> to vector<1xf32>
      %squeeze3A_128 = vector.extract %slice3A_127[0] : f32 from vector<1xf32>
      %convert_element_type3A_129 = arith.fptosi %squeeze3A_128 : f32 to i32
      %convert_element_type3A_130 = arith.sitofp %convert_element_type3A_129 : i32 to f32
      %gt3A_131 = arith.cmpf ogt, %convert_element_type3A_130, %squeeze3A_128 : f32
      %convert_element_type3A_132 = arith.extui %gt3A_131 : i1 to i32
      %sub3A_133 = arith.subi %convert_element_type3A_129, %convert_element_type3A_132 : i32
      %jit3A_134 = arith.constant 0 : i32
      %jit3A_135 = arith.constant 127 : i32
      %max3A_136 = arith.maxsi %jit3A_134, %sub3A_133 : i32
      %min3A_137 = arith.minsi %jit3A_135, %max3A_136 : i32
      %mul3A_138 = arith.constant 896 : i32
      %mul3A_139 = arith.muli %add3A_120, %mul3A_138 : i32
      %sub3A_140 = arith.constant 1 : i32
      %sub3A_141 = arith.subi %sub3A_133, %sub3A_140 : i32
      %add3A_142 = vector.broadcast %sub3A_141 : i32 to vector<16xi32>
      %add3A_143 = arith.addi %add3A_142, %iota3A : vector<16xi32>
      %jit3A_144 = arith.constant 0 : i32
      %jit3A_145 = arith.constant 127 : i32
      %max3A_146 = vector.broadcast %jit3A_144 : i32 to vector<16xi32>
      %max3A_147 = arith.maxsi %max3A_146, %add3A_143 : vector<16xi32>
      %min3A_148 = vector.broadcast %jit3A_145 : i32 to vector<16xi32>
      %min3A_149 = arith.minsi %min3A_148, %max3A_147 : vector<16xi32>
      %add3A_150 = vector.broadcast %mul3A_139 : i32 to vector<16xi32>
      %add3A_151 = arith.addi %add3A_150, %min3A_149 : vector<16xi32>
      %mul3A_152 = arith.constant 7 : i32
      %mul3A_153 = arith.muli %add3A_120, %mul3A_152 : i32
      %sub3A_154 = arith.constant 2 : i32
      %sub3A_155 = vector.broadcast %sub3A_154 : i32 to vector<16xi32>
      %sub3A_156 = arith.subi %iota3A, %sub3A_155 : vector<16xi32>
      %add3A_157 = vector.broadcast %mul3A_153 : i32 to vector<16xi32>
      %add3A_158 = arith.addi %add3A_157, %sub3A_156 : vector<16xi32>
      %mul3A_159 = arith.constant 128 : i32
      %mul3A_160 = vector.broadcast %mul3A_159 : i32 to vector<16xi32>
      %mul3A_161 = arith.muli %add3A_158, %mul3A_160 : vector<16xi32>
      %add3A_162 = vector.broadcast %min3A_137 : i32 to vector<16xi32>
      %add3A_163 = arith.addi %mul3A_161, %add3A_162 : vector<16xi32>
      %lt3A_164 = arith.constant 3 : i32
      %lt3A_165 = vector.broadcast %lt3A_164 : i32 to vector<16xi32>
      %lt3A_166 = arith.cmpi slt, %iota3A, %lt3A_165 : vector<16xi32>
      %lt3A_167 = arith.constant 9 : i32
      %lt3A_168 = vector.broadcast %lt3A_167 : i32 to vector<16xi32>
      %lt3A_169 = arith.cmpi slt, %iota3A, %lt3A_168 : vector<16xi32>
      %mul3A_170 = arith.constant 896 : i32
      %mul3A_171 = arith.muli %add3A_120, %mul3A_170 : i32
      %broadcast_in_dim3A_172 = vector.broadcast %mul3A_171 : i32 to vector<16xi32>
      %select_n3A_173 = arith.select %lt3A_169, %add3A_163, %broadcast_in_dim3A_172 : vector<16xi1>, vector<16xi32>
      %select_n3A_174 = arith.select %lt3A_166, %add3A_151, %select_n3A_173 : vector<16xi1>, vector<16xi32>
      %mul3A_175 = arith.constant 16 : i32
      %mul3A_176 = arith.muli %mul3A_175, %scan3A_118 : i32
      %swap3A = arith.index_cast %mul3A_176 : i32 to index
      %swap3A_177 = tpu.vector_load %arg6[%swap3A] {strides = array<i32>} : memref<64xi32, #tpu.memory_space<vmem>>, vector<16xi32>,
      tpu.vector_store %arg6[%swap3A], %select_n3A_174 {strides = array<i32>} : memref<64xi32, #tpu.memory_space<vmem>>, vector<16xi32>,
      %scan3A_178 = arith.constant 0 : i32
      scf.yield %scan3A_178 : i32
    }
    %scan3A_106 = arith.constant 4 : i32
    %dma_start3A = arith.constant 0 : i32
    %dma_start3A_107 = arith.constant 0 : i32
    %dma_start3A_108 = tpu.memref_slice %arg2[%dma_start3A, %dma_start3A_107] : memref<114688x128xf32, #tpu.memory_space<hbm>> -> memref<114688x128xf32, #tpu.memory_space<hbm>>
    tpu.enqueue_indirect_dma source(%dma_start3A_108 : memref<114688x128xf32, #tpu.memory_space<hbm>>) target(%arg7 : memref<64x128xf32, #tpu.memory_space<vmem>>) offsets(%arg6 : memref<64xi32, #tpu.memory_space<vmem>>) semaphore(%arg9 : memref<!tpu.dma_semaphore, #tpu.memory_space<semaphore_mem>>)
    %dma_wait3A = arith.constant 0 : i32
    %dma_wait3A_109 = arith.constant 0 : i32
    %dma_wait3A_110 = tpu.memref_slice %arg2[%dma_wait3A, %dma_wait3A_109] : memref<114688x128xf32, #tpu.memory_space<hbm>> -> memref<114688x128xf32, #tpu.memory_space<hbm>>
    tpu.wait_indirect_dma semaphore(%arg9 : memref<!tpu.dma_semaphore, #tpu.memory_space<semaphore_mem>>) src(%dma_wait3A_110 : memref<114688x128xf32, #tpu.memory_space<hbm>>) dst(%arg7 : memref<64x128xf32, #tpu.memory_space<vmem>>)
    %scan3A_111 = arith.constant 0 : i32
    %scan3A_112 = arith.constant 0 : i32
    %scan3A_113 = arith.constant 4 : i32
    %scan3A_114 = arith.addi %scan3A_112, %scan3A_113 : i32
    %scan3A_115 = arith.constant 1 : i32
    %scan3A_116 = scf.for %scan3A_118 = %scan3A_112 to %scan3A_114 step %scan3A_115 iter_args(%scan3A_119 = %scan3A_111) -> (i32)  : i32 {
      %mul3A_120 = arith.constant 6 : i32
      %mul3A_121 = arith.muli %mul3A_120, %scan3A_118 : i32
      %get3A = arith.index_cast %mul3A_121 : i32 to index
      %get3A_122 = tpu.vector_load %arg5[%get3A] {strides = array<i32>} : memref<40xf32, #tpu.memory_space<vmem>>, vector<16xf32>,
      %slice3A = vector.extract_strided_slice %get3A_122 {offsets = [1], sizes = [1], strides = [1]} : vector<16xf32> to vector<1xf32>
      %squeeze3A = vector.extract %slice3A[0] : f32 from vector<1xf32>
      %convert_element_type3A = arith.fptosi %squeeze3A : f32 to i32
      %convert_element_type3A_123 = arith.sitofp %convert_element_type3A : i32 to f32
      %gt3A = arith.cmpf ogt, %convert_element_type3A_123, %squeeze3A : f32
      %convert_element_type3A_124 = arith.extui %gt3A : i1 to i32
      %sub3A_125 = arith.subi %convert_element_type3A, %convert_element_type3A_124 : i32
      %slice3A_126 = vector.extract_strided_slice %get3A_122 {offsets = [2], sizes = [1], strides = [1]} : vector<16xf32> to vector<1xf32>
      %squeeze3A_127 = vector.extract %slice3A_126[0] : f32 from vector<1xf32>
      %convert_element_type3A_128 = arith.fptosi %squeeze3A_127 : f32 to i32
      %convert_element_type3A_129 = arith.sitofp %convert_element_type3A_128 : i32 to f32
      %gt3A_130 = arith.cmpf ogt, %convert_element_type3A_129, %squeeze3A_127 : f32
      %convert_element_type3A_131 = arith.extui %gt3A_130 : i1 to i32
      %sub3A_132 = arith.subi %convert_element_type3A_128, %convert_element_type3A_131 : i32
      %broadcast_in_dim3A_133 = vector.broadcast %sub3A_125 : i32 to vector<16xi32>
      %broadcast_in_dim3A_134 = vector.broadcast %sub3A_132 : i32 to vector<16xi32>
      %add3A_135 = arith.addi %broadcast_in_dim3A_134, %select_n3A_34 : vector<16xi32>
      %add3A_136 = arith.addi %broadcast_in_dim3A_133, %select_n3A_61 : vector<16xi32>
      %ge3A = arith.constant 0 : i32
      %ge3A_137 = vector.broadcast %ge3A : i32 to vector<16xi32>
      %ge3A_138 = arith.cmpi sge, %add3A_135, %ge3A_137 : vector<16xi32>
      %lt3A_139 = arith.constant 128 : i32
      %lt3A_140 = vector.broadcast %lt3A_139 : i32 to vector<16xi32>
      %lt3A_141 = arith.cmpi slt, %add3A_135, %lt3A_140 : vector<16xi32>
      %and3A_142 = arith.andi %ge3A_138, %lt3A_141 : vector<16xi1>
      %ge3A_143 = arith.constant 0 : i32
      %ge3A_144 = vector.broadcast %ge3A_143 : i32 to vector<16xi32>
      %ge3A_145 = arith.cmpi sge, %add3A_136, %ge3A_144 : vector<16xi32>
      %and3A_146 = arith.andi %and3A_142, %ge3A_145 : vector<16xi1>
      %lt3A_147 = arith.constant 128 : i32
      %lt3A_148 = vector.broadcast %lt3A_147 : i32 to vector<16xi32>
      %lt3A_149 = arith.cmpi slt, %add3A_136, %lt3A_148 : vector<16xi32>
      %and3A_150 = arith.andi %and3A_146, %lt3A_149 : vector<16xi1>
      %ge3A_151 = arith.constant 0 : i32
      %ge3A_152 = vector.broadcast %ge3A_151 : i32 to vector<16xi32>
      %ge3A_153 = arith.cmpi sge, %broadcast_in_dim3A_133, %ge3A_152 : vector<16xi32>
      %lt3A_154 = arith.constant 128 : i32
      %lt3A_155 = vector.broadcast %lt3A_154 : i32 to vector<16xi32>
      %lt3A_156 = arith.cmpi slt, %broadcast_in_dim3A_133, %lt3A_155 : vector<16xi32>
      %and3A_157 = arith.andi %ge3A_153, %lt3A_156 : vector<16xi1>
      %ge3A_158 = arith.constant 0 : i32
      %ge3A_159 = vector.broadcast %ge3A_158 : i32 to vector<16xi32>
      %ge3A_160 = arith.cmpi sge, %broadcast_in_dim3A_134, %ge3A_159 : vector<16xi32>
      %and3A_161 = arith.andi %and3A_157, %ge3A_160 : vector<16xi1>
      %lt3A_162 = arith.constant 128 : i32
      %lt3A_163 = vector.broadcast %lt3A_162 : i32 to vector<16xi32>
      %lt3A_164 = arith.cmpi slt, %broadcast_in_dim3A_134, %lt3A_163 : vector<16xi32>
      %and3A_165 = arith.andi %and3A_161, %lt3A_164 : vector<16xi1>
      %and3A_166 = arith.andi %and3A_150, %and3A_165 : vector<16xi1>
      %lt3A_167 = arith.constant 15 : i32
      %lt3A_168 = vector.broadcast %lt3A_167 : i32 to vector<16xi32>
      %lt3A_169 = arith.cmpi slt, %iota3A, %lt3A_168 : vector<16xi32>
      %and3A_170 = arith.andi %and3A_166, %lt3A_169 : vector<16xi1>
      %mul3A_171 = arith.constant 16 : i32
      %mul3A_172 = arith.muli %mul3A_171, %scan3A_118 : i32
      %add3A_173 = vector.broadcast %mul3A_172 : i32 to vector<16xi32>
      %add3A_174 = arith.addi %add3A_173, %select_n3A_100 : vector<16xi32>
      %jit3A_175 = arith.constant 0 : i32
      %jit3A_176 = arith.constant 127 : i32
      %max3A_177 = vector.broadcast %jit3A_175 : i32 to vector<16xi32>
      %max3A_178 = arith.maxsi %max3A_177, %add3A_136 : vector<16xi32>
      %min3A_179 = vector.broadcast %jit3A_176 : i32 to vector<16xi32>
      %min3A_180 = arith.minsi %min3A_179, %max3A_178 : vector<16xi32>
      %gather3A = tpu.vector_load_idx %arg7[%add3A_174, %min3A_180] masked %and3A_170 : memref<64x128xf32, #tpu.memory_space<vmem>>[vector<16xi32>, vector<16xi32>], vector<16xf32>, vector<16xi1>
      %convert_element_type3A_181 = arith.extui %and3A_170 : vector<16xi1> to vector<16xi32>
      %convert_element_type3A_182 = arith.sitofp %convert_element_type3A_181 : vector<16xi32> to vector<16xf32>
      %mul3A_183 = arith.mulf %gather3A, %convert_element_type3A_182 : vector<16xf32>
      %swap3A = arith.index_cast %scan3A_118 : i32 to index
      %swap3A_184 = arith.constant 0 : index
      %swap3A_185 = tpu.vector_load %arg8[%swap3A, %swap3A_184] {strides = array<i32>} : memref<4x16xf32, #tpu.memory_space<vmem>>, vector<16xf32>,
      tpu.vector_store %arg8[%swap3A, %swap3A_184], %mul3A_183 {strides = array<i32>} : memref<4x16xf32, #tpu.memory_space<vmem>>, vector<16xf32>,
      %scan3A_186 = arith.constant 0 : i32
      scf.yield %scan3A_186 : i32
    }
    %scan3A_117 = arith.constant 4 : i32
    "tpu.region"() ({
      %run_scoped3A = tpu.sem_alloc : memref<!tpu.dma_semaphore, #tpu.memory_space<semaphore_mem>>
      %dma_start3A_118 = arith.constant 0 : i32
      %dma_start3A_119 = tpu.memref_slice %arg4[%mul3A_2, %dma_start3A_118] : memref<128x16xf32, #tpu.memory_space<hbm>> -> memref<4x16xf32, #tpu.memory_space<hbm>>
      %dma_start3A_120 = arith.constant 0 : i32
      %dma_start3A_121 = tpu.memref_slice %arg4[%mul3A_2, %dma_start3A_120] : memref<128x16xf32, #tpu.memory_space<hbm>> -> memref<4x16xf32, #tpu.memory_space<hbm>>
      tpu.enqueue_dma source(%arg8 : memref<4x16xf32, #tpu.memory_space<vmem>>) target(%dma_start3A_121 : memref<4x16xf32, #tpu.memory_space<hbm>>) target_semaphore(%run_scoped3A : memref<!tpu.dma_semaphore, #tpu.memory_space<semaphore_mem>>)
      %dma_wait3A_122 = arith.constant 0 : i32
      %dma_wait3A_123 = tpu.memref_slice %arg4[%mul3A_2, %dma_wait3A_122] : memref<128x16xf32, #tpu.memory_space<hbm>> -> memref<4x16xf32, #tpu.memory_space<hbm>>
      %dma_wait3A_124 = arith.constant 0 : i32
      %dma_wait3A_125 = tpu.memref_slice %arg4[%mul3A_2, %dma_wait3A_124] : memref<128x16xf32, #tpu.memory_space<hbm>> -> memref<4x16xf32, #tpu.memory_space<hbm>>
      tpu.wait_dma2 semaphore(%run_scoped3A : memref<!tpu.dma_semaphore, #tpu.memory_space<semaphore_mem>>) src(%arg8 : memref<4x16xf32, #tpu.memory_space<vmem>>) dst(%dma_wait3A_125 : memref<4x16xf32, #tpu.memory_space<hbm>>)
      tpu.yield
    }) : () -> ()
    return
  }
}

module attributes {stable_mosaic.version = 14 : i64} {
  func.func @_combine_body(%arg0: memref<1x1xf32, #tpu.memory_space<smem>>, %arg1: memref<128x16xf32, #tpu.memory_space<vmem>>, %arg2: memref<128x6xf32, #tpu.memory_space<vmem>>, %arg3: memref<1x1xf32, #tpu.memory_space<smem>>, %arg4: memref<1x1xf32, #tpu.memory_space<smem>>, %arg5: memref<1x1xf32, #tpu.memory_space<smem>>) attributes {dimension_semantics = [], scalar_prefetch = 0 : i64, scratch_operands = 0 : i64, tpu.core_type = #tpu.core_type<tc>} {
    %get3A = arith.constant 0 : index
    %get3A_0 = arith.constant 0 : index
    %get3A_1 = vector.load %arg1[%get3A, %get3A_0] : memref<128x16xf32, #tpu.memory_space<vmem>>, vector<128x16xf32>
    %get3A_2 = arith.constant 0 : index
    %get3A_3 = arith.constant 0 : index
    %get3A_4 = vector.load %arg2[%get3A_2, %get3A_3] : memref<128x6xf32, #tpu.memory_space<vmem>>, vector<128x6xf32>
    %slice3A = vector.extract_strided_slice %get3A_4 {offsets = [0, 1], sizes = [128, 1], strides = [1, 1]} : vector<128x6xf32> to vector<128x1xf32>
    %slice3A_5 = vector.extract_strided_slice %get3A_4 {offsets = [0, 2], sizes = [128, 1], strides = [1, 1]} : vector<128x6xf32> to vector<128x1xf32>
    %convert_element_type3A = arith.fptosi %slice3A : vector<128x1xf32> to vector<128x1xi32>
    %convert_element_type3A_6 = arith.fptosi %slice3A_5 : vector<128x1xf32> to vector<128x1xi32>
    %ge3A = arith.constant 0 : i32
    %ge3A_7 = vector.broadcast %ge3A : i32 to vector<128x1xi32>
    %ge3A_8 = arith.cmpi sge, %convert_element_type3A, %ge3A_7 : vector<128x1xi32>
    %lt3A = arith.constant 128 : i32
    %lt3A_9 = vector.broadcast %lt3A : i32 to vector<128x1xi32>
    %lt3A_10 = arith.cmpi slt, %convert_element_type3A, %lt3A_9 : vector<128x1xi32>
    %and3A = arith.andi %ge3A_8, %lt3A_10 : vector<128x1xi1>
    %ge3A_11 = arith.constant 0 : i32
    %ge3A_12 = vector.broadcast %ge3A_11 : i32 to vector<128x1xi32>
    %ge3A_13 = arith.cmpi sge, %convert_element_type3A_6, %ge3A_12 : vector<128x1xi32>
    %and3A_14 = arith.andi %and3A, %ge3A_13 : vector<128x1xi1>
    %lt3A_15 = arith.constant 128 : i32
    %lt3A_16 = vector.broadcast %lt3A_15 : i32 to vector<128x1xi32>
    %lt3A_17 = arith.cmpi slt, %convert_element_type3A_6, %lt3A_16 : vector<128x1xi32>
    %and3A_18 = arith.andi %and3A_14, %lt3A_17 : vector<128x1xi1>
    %iota3A = tpu.iota {dimensions = array<i32: 1>} : vector<1x9xi32>
    %jit3A = arith.constant 3 : i32
    %div3A = vector.broadcast %jit3A : i32 to vector<1x9xi32>
    %div3A_19 = arith.divsi %iota3A, %div3A : vector<1x9xi32>
    %sign3A = arith.constant 0 : i32
    %sign3A_20 = vector.broadcast %sign3A : i32 to vector<1x9xi32>
    %sign3A_21 = arith.cmpi sgt, %iota3A, %sign3A_20 : vector<1x9xi32>
    %sign3A_22 = arith.extui %sign3A_21 : vector<1x9xi1> to vector<1x9xi32>
    %sign3A_23 = arith.constant 0 : i32
    %sign3A_24 = vector.broadcast %sign3A_23 : i32 to vector<1x9xi32>
    %sign3A_25 = arith.cmpi slt, %iota3A, %sign3A_24 : vector<1x9xi32>
    %sign3A_26 = arith.extui %sign3A_25 : vector<1x9xi1> to vector<1x9xi32>
    %sign3A_27 = arith.subi %sign3A_22, %sign3A_26 : vector<1x9xi32>
    %sign3A_28 = arith.constant 0 : i32
    %sign3A_29 = arith.cmpi sgt, %jit3A, %sign3A_28 : i32
    %sign3A_30 = arith.extui %sign3A_29 : i1 to i32
    %sign3A_31 = arith.constant 0 : i32
    %sign3A_32 = arith.cmpi slt, %jit3A, %sign3A_31 : i32
    %sign3A_33 = arith.extui %sign3A_32 : i1 to i32
    %sign3A_34 = arith.subi %sign3A_30, %sign3A_33 : i32
    %ne3A = vector.broadcast %sign3A_34 : i32 to vector<1x9xi32>
    %ne3A_35 = arith.cmpi ne, %sign3A_27, %ne3A : vector<1x9xi32>
    %rem3A = vector.broadcast %jit3A : i32 to vector<1x9xi32>
    %rem3A_36 = arith.remsi %iota3A, %rem3A : vector<1x9xi32>
    %ne3A_37 = arith.constant 0 : i32
    %ne3A_38 = vector.broadcast %ne3A_37 : i32 to vector<1x9xi32>
    %ne3A_39 = arith.cmpi ne, %rem3A_36, %ne3A_38 : vector<1x9xi32>
    %and3A_40 = arith.andi %ne3A_35, %ne3A_39 : vector<1x9xi1>
    %sub3A = arith.constant 1 : i32
    %sub3A_41 = vector.broadcast %sub3A : i32 to vector<1x9xi32>
    %sub3A_42 = arith.subi %div3A_19, %sub3A_41 : vector<1x9xi32>
    %select_n3A = arith.select %and3A_40, %sub3A_42, %div3A_19 : vector<1x9xi1>, vector<1x9xi32>
    %sub3A_43 = arith.constant 1 : i32
    %sub3A_44 = vector.broadcast %sub3A_43 : i32 to vector<1x9xi32>
    %sub3A_45 = arith.subi %select_n3A, %sub3A_44 : vector<1x9xi32>
    %add3A = vector.broadcast %convert_element_type3A_6 : vector<128x1xi32> to vector<128x9xi32>
    %add3A_46 = vector.broadcast %sub3A_45 : vector<1x9xi32> to vector<128x9xi32>
    %add3A_47 = arith.addi %add3A, %add3A_46 : vector<128x9xi32>
    %jit3A_48 = arith.constant 3 : i32
    %eq3A = arith.constant 0 : i32
    %eq3A_49 = arith.cmpi eq, %jit3A_48, %eq3A : i32
    %jit3A_50 = arith.constant 1 : i32
    %select_n3A_51 = arith.select %eq3A_49, %jit3A_50, %jit3A_48 : i32
    %rem3A_52 = vector.broadcast %select_n3A_51 : i32 to vector<1x9xi32>
    %rem3A_53 = arith.remsi %iota3A, %rem3A_52 : vector<1x9xi32>
    %ne3A_54 = arith.constant 0 : i32
    %ne3A_55 = vector.broadcast %ne3A_54 : i32 to vector<1x9xi32>
    %ne3A_56 = arith.cmpi ne, %rem3A_53, %ne3A_55 : vector<1x9xi32>
    %lt3A_57 = arith.constant 0 : i32
    %lt3A_58 = vector.broadcast %lt3A_57 : i32 to vector<1x9xi32>
    %lt3A_59 = arith.cmpi slt, %rem3A_53, %lt3A_58 : vector<1x9xi32>
    %lt3A_60 = arith.constant 0 : i32
    %lt3A_61 = arith.cmpi slt, %select_n3A_51, %lt3A_60 : i32
    %ne3A_62 = vector.broadcast %lt3A_61 : i1 to vector<1x9xi1>
    %ne3A_63 = vector.broadcast %ne3A_62 : vector<1x9xi1> to vector<1x9xi1>
    %ne3A_64 = arith.xori %lt3A_59, %ne3A_63 : vector<1x9xi1>
    %and3A_65 = arith.andi %ne3A_64, %ne3A_56 : vector<1x9xi1>
    %add3A_66 = vector.broadcast %select_n3A_51 : i32 to vector<1x9xi32>
    %add3A_67 = arith.addi %rem3A_53, %add3A_66 : vector<1x9xi32>
    %select_n3A_68 = arith.select %and3A_65, %add3A_67, %rem3A_53 : vector<1x9xi1>, vector<1x9xi32>
    %sub3A_69 = arith.constant 1 : i32
    %sub3A_70 = vector.broadcast %sub3A_69 : i32 to vector<1x9xi32>
    %sub3A_71 = arith.subi %select_n3A_68, %sub3A_70 : vector<1x9xi32>
    %add3A_72 = vector.broadcast %convert_element_type3A : vector<128x1xi32> to vector<128x9xi32>
    %add3A_73 = vector.broadcast %sub3A_71 : vector<1x9xi32> to vector<128x9xi32>
    %add3A_74 = arith.addi %add3A_72, %add3A_73 : vector<128x9xi32>
    %ge3A_75 = arith.constant 0 : i32
    %ge3A_76 = vector.broadcast %ge3A_75 : i32 to vector<128x9xi32>
    %ge3A_77 = arith.cmpi sge, %add3A_47, %ge3A_76 : vector<128x9xi32>
    %lt3A_78 = arith.constant 128 : i32
    %lt3A_79 = vector.broadcast %lt3A_78 : i32 to vector<128x9xi32>
    %lt3A_80 = arith.cmpi slt, %add3A_47, %lt3A_79 : vector<128x9xi32>
    %and3A_81 = arith.andi %ge3A_77, %lt3A_80 : vector<128x9xi1>
    %ge3A_82 = arith.constant 0 : i32
    %ge3A_83 = vector.broadcast %ge3A_82 : i32 to vector<128x9xi32>
    %ge3A_84 = arith.cmpi sge, %add3A_74, %ge3A_83 : vector<128x9xi32>
    %and3A_85 = arith.andi %and3A_81, %ge3A_84 : vector<128x9xi1>
    %lt3A_86 = arith.constant 128 : i32
    %lt3A_87 = vector.broadcast %lt3A_86 : i32 to vector<128x9xi32>
    %lt3A_88 = arith.cmpi slt, %add3A_74, %lt3A_87 : vector<128x9xi32>
    %and3A_89 = arith.andi %and3A_85, %lt3A_88 : vector<128x9xi1>
    %and3A_90 = vector.broadcast %and3A_18 : vector<128x1xi1> to vector<128x9xi1>
    %and3A_91 = arith.andi %and3A_89, %and3A_90 : vector<128x9xi1>
    %slice3A_92 = vector.extract_strided_slice %get3A_1 {offsets = [0, 0], sizes = [128, 9], strides = [1, 1]} : vector<128x16xf32> to vector<128x9xf32>
    %logistic3A = arith.negf %slice3A_92 : vector<128x9xf32>
    %logistic3A_93 = math.exp %logistic3A : vector<128x9xf32>
    %logistic3A_94 = arith.constant 1.000000e+00 : f32
    %logistic3A_95 = vector.broadcast %logistic3A_94 : f32 to vector<128x9xf32>
    %logistic3A_96 = arith.addf %logistic3A_95, %logistic3A_93 : vector<128x9xf32>
    %logistic3A_97 = arith.divf %logistic3A_95, %logistic3A_96 : vector<128x9xf32>
    %sub3A_98 = arith.constant 1.000000e+00 : f32
    %sub3A_99 = vector.broadcast %sub3A_98 : f32 to vector<128x9xf32>
    %sub3A_100 = arith.subf %sub3A_99, %logistic3A_97 : vector<128x9xf32>
    %log3A = math.log %sub3A_100 : vector<128x9xf32>
    %mul3A = arith.mulf %log3A, %logistic3A_97 : vector<128x9xf32>
    %mul3A_101 = arith.mulf %mul3A, %logistic3A_97 : vector<128x9xf32>
    %eq3A_102 = arith.constant 4 : i32
    %eq3A_103 = vector.broadcast %eq3A_102 : i32 to vector<1x9xi32>
    %eq3A_104 = arith.cmpi eq, %iota3A, %eq3A_103 : vector<1x9xi32>
    %neg3A = arith.constant 0.000000e+00 : f32
    %neg3A_105 = vector.broadcast %neg3A : f32 to vector<128x9xf32>
    %neg3A_106 = arith.subf %neg3A_105, %mul3A_101 : vector<128x9xf32>
    %mul3A_107 = arith.constant -0.998399972 : f32
    %mul3A_108 = vector.broadcast %mul3A_107 : f32 to vector<128x9xf32>
    %mul3A_109 = arith.mulf %mul3A_108, %mul3A_101 : vector<128x9xf32>
    %broadcast_in_dim3A = vector.shape_cast %eq3A_104 : vector<1x9xi1> to vector<1x9xi1>
    %broadcast_in_dim3A_110 = vector.broadcast %broadcast_in_dim3A : vector<1x9xi1> to vector<128x9xi1>
    %select_n3A_111 = arith.select %broadcast_in_dim3A_110, %neg3A_106, %mul3A_109 : vector<128x9xi1>, vector<128x9xf32>
    %jit3A_112 = arith.constant 0.000000e+00 : f32
    %broadcast_in_dim3A_113 = vector.broadcast %jit3A_112 : f32 to vector<128x9xf32>
    %select_n3A_114 = arith.select %and3A_91, %select_n3A_111, %broadcast_in_dim3A_113 : vector<128x9xi1>, vector<128x9xf32>
    %sub3A_115 = arith.constant 1.000000e+00 : f32
    %sub3A_116 = vector.broadcast %sub3A_115 : f32 to vector<128x9xf32>
    %sub3A_117 = arith.subf %sub3A_116, %logistic3A_97 : vector<128x9xf32>
    %log3A_118 = math.log %logistic3A_97 : vector<128x9xf32>
    %mul3A_119 = arith.mulf %log3A_118, %sub3A_117 : vector<128x9xf32>
    %mul3A_120 = arith.mulf %mul3A_119, %sub3A_117 : vector<128x9xf32>
    %and3A_121 = vector.broadcast %eq3A_104 : vector<1x9xi1> to vector<128x9xi1>
    %and3A_122 = arith.andi %and3A_121, %and3A_91 : vector<128x9xi1>
    %jit3A_123 = arith.constant 0.000000e+00 : f32
    %broadcast_in_dim3A_124 = vector.broadcast %jit3A_123 : f32 to vector<128x9xf32>
    %select_n3A_125 = arith.select %and3A_122, %mul3A_120, %broadcast_in_dim3A_124 : vector<128x9xi1>, vector<128x9xf32>
    %reduce_sum3A = vector.shape_cast %select_n3A_125 : vector<128x9xf32> to vector<1x128x9xf32>
    %reduce_sum3A_126 = arith.constant dense<0.000000e+00> : vector<1xf32>
    %reduce_sum3A_127 = vector.multi_reduction <add>, %reduce_sum3A, %reduce_sum3A_126 [1, 2] : vector<1x128x9xf32> to vector<1xf32>
    %reduce_sum3A_128 = vector.shape_cast %reduce_sum3A_127 : vector<1xf32> to vector<1x1x1xf32>
    %reduce_sum3A_129 = vector.extract %reduce_sum3A_128[0, 0, 0] : f32 from vector<1x1x1xf32>
    %get3A_130 = arith.constant 0 : index
    %get3A_131 = arith.constant 0 : index
    %get3A_132 = memref.load %arg0[%get3A_130, %get3A_131] : memref<1x1xf32, #tpu.memory_space<smem>>
    %reduce_sum3A_133 = vector.shape_cast %select_n3A_114 : vector<128x9xf32> to vector<1x128x9xf32>
    %reduce_sum3A_134 = arith.constant dense<0.000000e+00> : vector<1xf32>
    %reduce_sum3A_135 = vector.multi_reduction <add>, %reduce_sum3A_133, %reduce_sum3A_134 [1, 2] : vector<1x128x9xf32> to vector<1xf32>
    %reduce_sum3A_136 = vector.shape_cast %reduce_sum3A_135 : vector<1xf32> to vector<1x1x1xf32>
    %reduce_sum3A_137 = vector.extract %reduce_sum3A_136[0, 0, 0] : f32 from vector<1x1x1xf32>
    %add3A_138 = arith.addf %get3A_132, %reduce_sum3A_137 : f32
    %convert_element_type3A_139 = arith.extui %and3A_18 : vector<128x1xi1> to vector<128x1xi32>
    %convert_element_type3A_140 = arith.sitofp %convert_element_type3A_139 : vector<128x1xi32> to vector<128x1xf32>
    %reduce_sum3A_141 = vector.shape_cast %convert_element_type3A_140 : vector<128x1xf32> to vector<1x128x1xf32>
    %reduce_sum3A_142 = arith.constant dense<0.000000e+00> : vector<1xf32>
    %reduce_sum3A_143 = vector.multi_reduction <add>, %reduce_sum3A_141, %reduce_sum3A_142 [1, 2] : vector<1x128x1xf32> to vector<1xf32>
    %reduce_sum3A_144 = vector.shape_cast %reduce_sum3A_143 : vector<1xf32> to vector<1x1x1xf32>
    %reduce_sum3A_145 = vector.extract %reduce_sum3A_144[0, 0, 0] : f32 from vector<1x1x1xf32>
    %eq3A_146 = arith.constant 0.000000e+00 : f32
    %eq3A_147 = arith.cmpf oeq, %reduce_sum3A_145, %eq3A_146 : f32
    %neg3A_148 = arith.constant 0.000000e+00 : f32
    %neg3A_149 = arith.subf %neg3A_148, %add3A_138 : f32
    %add3A_150 = arith.addf %reduce_sum3A_129, %add3A_138 : f32
    %neg3A_151 = arith.constant 0.000000e+00 : f32
    %neg3A_152 = arith.subf %neg3A_151, %add3A_150 : f32
    %max3A = arith.constant 1.000000e+00 : f32
    %max3A_153 = arith.maximumf %reduce_sum3A_145, %max3A : f32
    %div3A_154 = arith.divf %neg3A_152, %max3A_153 : f32
    %select_n3A_155 = arith.select %eq3A_147, %neg3A_149, %div3A_154 : f32
    %convert_element_type3A_156 = arith.extui %and3A_18 : vector<128x1xi1> to vector<128x1xi32>
    %convert_element_type3A_157 = arith.sitofp %convert_element_type3A_156 : vector<128x1xi32> to vector<128x1xf32>
    %slice3A_158 = vector.extract_strided_slice %get3A_1 {offsets = [0, 9], sizes = [128, 6], strides = [1, 1]} : vector<128x16xf32> to vector<128x6xf32>
    %slice3A_159 = vector.extract_strided_slice %slice3A_158 {offsets = [0, 0], sizes = [128, 1], strides = [1, 1]} : vector<128x6xf32> to vector<128x1xf32>
    %convert_element_type3A_160 = arith.sitofp %convert_element_type3A : vector<128x1xi32> to vector<128x1xf32>
    %sub3A_161 = arith.subf %slice3A, %convert_element_type3A_160 : vector<128x1xf32>
    %sub3A_162 = arith.subf %slice3A_159, %sub3A_161 : vector<128x1xf32>
    %abs3A = math.absf %sub3A_162 : vector<128x1xf32>
    %slice3A_163 = vector.extract_strided_slice %slice3A_158 {offsets = [0, 1], sizes = [128, 1], strides = [1, 1]} : vector<128x6xf32> to vector<128x1xf32>
    %convert_element_type3A_164 = arith.sitofp %convert_element_type3A_6 : vector<128x1xi32> to vector<128x1xf32>
    %sub3A_165 = arith.subf %slice3A_5, %convert_element_type3A_164 : vector<128x1xf32>
    %sub3A_166 = arith.subf %slice3A_163, %sub3A_165 : vector<128x1xf32>
    %abs3A_167 = math.absf %sub3A_166 : vector<128x1xf32>
    %slice3A_168 = vector.extract_strided_slice %slice3A_158 {offsets = [0, 2], sizes = [128, 1], strides = [1, 1]} : vector<128x6xf32> to vector<128x1xf32>
    %slice3A_169 = vector.extract_strided_slice %get3A_4 {offsets = [0, 3], sizes = [128, 1], strides = [1, 1]} : vector<128x6xf32> to vector<128x1xf32>
    %log3A_170 = math.log %slice3A_169 : vector<128x1xf32>
    %sub3A_171 = arith.subf %slice3A_168, %log3A_170 : vector<128x1xf32>
    %abs3A_172 = math.absf %sub3A_171 : vector<128x1xf32>
    %slice3A_173 = vector.extract_strided_slice %slice3A_158 {offsets = [0, 3], sizes = [128, 1], strides = [1, 1]} : vector<128x6xf32> to vector<128x1xf32>
    %slice3A_174 = vector.extract_strided_slice %get3A_4 {offsets = [0, 4], sizes = [128, 1], strides = [1, 1]} : vector<128x6xf32> to vector<128x1xf32>
    %log3A_175 = math.log %slice3A_174 : vector<128x1xf32>
    %sub3A_176 = arith.subf %slice3A_173, %log3A_175 : vector<128x1xf32>
    %abs3A_177 = math.absf %sub3A_176 : vector<128x1xf32>
    %slice3A_178 = vector.extract_strided_slice %slice3A_158 {offsets = [0, 4], sizes = [128, 1], strides = [1, 1]} : vector<128x6xf32> to vector<128x1xf32>
    %slice3A_179 = vector.extract_strided_slice %get3A_4 {offsets = [0, 5], sizes = [128, 1], strides = [1, 1]} : vector<128x6xf32> to vector<128x1xf32>
    %sin3A = math.sin %slice3A_179 : vector<128x1xf32>
    %sub3A_180 = arith.subf %slice3A_178, %sin3A : vector<128x1xf32>
    %abs3A_181 = math.absf %sub3A_180 : vector<128x1xf32>
    %slice3A_182 = vector.extract_strided_slice %slice3A_158 {offsets = [0, 5], sizes = [128, 1], strides = [1, 1]} : vector<128x6xf32> to vector<128x1xf32>
    %slice3A_183 = vector.extract_strided_slice %get3A_4 {offsets = [0, 5], sizes = [128, 1], strides = [1, 1]} : vector<128x6xf32> to vector<128x1xf32>
    %cos3A = math.cos %slice3A_183 : vector<128x1xf32>
    %sub3A_184 = arith.subf %slice3A_182, %cos3A : vector<128x1xf32>
    %abs3A_185 = math.absf %sub3A_184 : vector<128x1xf32>
    %add3A_186 = arith.addf %abs3A, %abs3A_167 : vector<128x1xf32>
    %add3A_187 = arith.addf %add3A_186, %abs3A_172 : vector<128x1xf32>
    %add3A_188 = arith.addf %add3A_187, %abs3A_177 : vector<128x1xf32>
    %add3A_189 = arith.addf %add3A_188, %abs3A_181 : vector<128x1xf32>
    %add3A_190 = arith.addf %add3A_189, %abs3A_185 : vector<128x1xf32>
    %mul3A_191 = arith.mulf %add3A_190, %convert_element_type3A_157 : vector<128x1xf32>
    %reduce_sum3A_192 = vector.shape_cast %mul3A_191 : vector<128x1xf32> to vector<1x128x1xf32>
    %reduce_sum3A_193 = arith.constant dense<0.000000e+00> : vector<1xf32>
    %reduce_sum3A_194 = vector.multi_reduction <add>, %reduce_sum3A_192, %reduce_sum3A_193 [1, 2] : vector<1x128x1xf32> to vector<1xf32>
    %reduce_sum3A_195 = vector.shape_cast %reduce_sum3A_194 : vector<1xf32> to vector<1x1x1xf32>
    %reduce_sum3A_196 = vector.extract %reduce_sum3A_195[0, 0, 0] : f32 from vector<1x1x1xf32>
    %add3A_197 = arith.constant 9.99999974E-5 : f32
    %add3A_198 = arith.addf %reduce_sum3A_145, %add3A_197 : f32
    %div3A_199 = arith.divf %reduce_sum3A_196, %add3A_198 : f32
    %swap3A = arith.constant 0 : index
    %swap3A_200 = arith.constant 0 : index
    %swap3A_201 = memref.load %arg4[%swap3A, %swap3A_200] : memref<1x1xf32, #tpu.memory_space<smem>>
    memref.store %select_n3A_155, %arg4[%swap3A, %swap3A_200] : memref<1x1xf32, #tpu.memory_space<smem>>
    %swap3A_202 = arith.constant 0 : index
    %swap3A_203 = arith.constant 0 : index
    %swap3A_204 = memref.load %arg5[%swap3A_202, %swap3A_203] : memref<1x1xf32, #tpu.memory_space<smem>>
    memref.store %div3A_199, %arg5[%swap3A_202, %swap3A_203] : memref<1x1xf32, #tpu.memory_space<smem>>
    %mul3A_205 = arith.constant 2.000000e+00 : f32
    %mul3A_206 = arith.mulf %mul3A_205, %div3A_199 : f32
    %add3A_207 = arith.addf %select_n3A_155, %mul3A_206 : f32
    %swap3A_208 = arith.constant 0 : index
    %swap3A_209 = arith.constant 0 : index
    %swap3A_210 = memref.load %arg3[%swap3A_208, %swap3A_209] : memref<1x1xf32, #tpu.memory_space<smem>>
    memref.store %add3A_207, %arg3[%swap3A_208, %swap3A_209] : memref<1x1xf32, #tpu.memory_space<smem>>
    return
  }
}

module attributes {stable_mosaic.version = 14 : i64} {
  func.func @_dense_body(%arg0: i32, %arg1: memref<64x1x128x128xf32, #tpu.memory_space<vmem>>, %arg2: memref<1x1xf32, #tpu.memory_space<smem>>, %arg3: memref<1xf32, #tpu.memory_space<smem>>) attributes {dimension_semantics = [#tpu.dimension_semantics<arbitrary>], iteration_bounds = array<i64: 2>, scalar_prefetch = 0 : i64, scratch_operands = 1 : i64, tpu.core_type = #tpu.core_type<tc>, window_params = [{transform_indices = @transform_0, window_bounds = array<i64: 64, 1, 128, 128>}, {transform_indices = @transform_1, window_bounds = array<i64: 1, 1>}]} {
    %eq3A = arith.constant 0 : i32
    %eq3A_0 = arith.cmpi eq, %arg0, %eq3A : i32
    %convert_element_type3A = arith.extui %eq3A_0 : i1 to i32
    %cond3A = arith.constant 0 : i32
    %cond3A_1 = arith.cmpi ne, %convert_element_type3A, %cond3A : i32
    scf.if %cond3A_1 {
      %swap3A_22 = arith.constant 0.000000e+00 : f32
      %swap3A_23 = arith.constant 0 : index
      %swap3A_24 = memref.load %arg3[%swap3A_23] : memref<1xf32, #tpu.memory_space<smem>>
      memref.store %swap3A_22, %arg3[%swap3A_23] : memref<1xf32, #tpu.memory_space<smem>>
    } else {
    }
    %get3A = arith.constant 0 : index
    %get3A_2 = arith.constant 0 : index
    %get3A_3 = arith.constant 0 : index
    %get3A_4 = arith.constant 0 : index
    %get3A_5 = vector.load %arg1[%get3A, %get3A_2, %get3A_3, %get3A_4] : memref<64x1x128x128xf32, #tpu.memory_space<vmem>>, vector<64x1x128x128xf32>
    %exp3A = math.exp %get3A_5 : vector<64x1x128x128xf32>
    %add3A = arith.constant 1.000000e+00 : f32
    %add3A_6 = vector.broadcast %add3A : f32 to vector<64x1x128x128xf32>
    %add3A_7 = arith.addf %add3A_6, %exp3A : vector<64x1x128x128xf32>
    %div3A = arith.divf %exp3A, %add3A_7 : vector<64x1x128x128xf32>
    %log3A = math.log %add3A_7 : vector<64x1x128x128xf32>
    %mul3A = arith.mulf %div3A, %div3A : vector<64x1x128x128xf32>
    %mul3A_8 = arith.mulf %log3A, %mul3A : vector<64x1x128x128xf32>
    %get3A_9 = arith.constant 0 : index
    %get3A_10 = memref.load %arg3[%get3A_9] : memref<1xf32, #tpu.memory_space<smem>>
    %reduce_sum3A = vector.shape_cast %mul3A_8 : vector<64x1x128x128xf32> to vector<1x64x1x128x128xf32>
    %reduce_sum3A_11 = arith.constant dense<0.000000e+00> : vector<1xf32>
    %reduce_sum3A_12 = vector.multi_reduction <add>, %reduce_sum3A, %reduce_sum3A_11 [1, 2, 3, 4] : vector<1x64x1x128x128xf32> to vector<1xf32>
    %reduce_sum3A_13 = vector.shape_cast %reduce_sum3A_12 : vector<1xf32> to vector<1x1x1x1x1xf32>
    %reduce_sum3A_14 = vector.extract %reduce_sum3A_13[0, 0, 0, 0, 0] : f32 from vector<1x1x1x1x1xf32>
    %add3A_15 = arith.addf %get3A_10, %reduce_sum3A_14 : f32
    %swap3A = arith.constant 0 : index
    %swap3A_16 = memref.load %arg3[%swap3A] : memref<1xf32, #tpu.memory_space<smem>>
    memref.store %add3A_15, %arg3[%swap3A] : memref<1xf32, #tpu.memory_space<smem>>
    %eq3A_17 = arith.constant 1 : i32
    %eq3A_18 = arith.cmpi eq, %arg0, %eq3A_17 : i32
    %convert_element_type3A_19 = arith.extui %eq3A_18 : i1 to i32
    %cond3A_20 = arith.constant 0 : i32
    %cond3A_21 = arith.cmpi ne, %convert_element_type3A_19, %cond3A_20 : i32
    scf.if %cond3A_21 {
      %get3A_22 = arith.constant 0 : index
      %get3A_23 = memref.load %arg3[%get3A_22] : memref<1xf32, #tpu.memory_space<smem>>
      %neg3A = arith.constant 0.000000e+00 : f32
      %neg3A_24 = arith.subf %neg3A, %get3A_23 : f32
      %swap3A_25 = arith.constant 0 : index
      %swap3A_26 = arith.constant 0 : index
      %swap3A_27 = memref.load %arg2[%swap3A_25, %swap3A_26] : memref<1x1xf32, #tpu.memory_space<smem>>
      memref.store %neg3A_24, %arg2[%swap3A_25, %swap3A_26] : memref<1x1xf32, #tpu.memory_space<smem>>
    } else {
    }
    return
  }
  func.func @transform_0(%arg0: i32) -> (i32, i32, i32, i32) {
    %c0_i32 = arith.constant 0 : i32
    %c0_i32_0 = arith.constant 0 : i32
    %c0_i32_1 = arith.constant 0 : i32
    %c0_i32_2 = arith.constant 0 : i32
    return %arg0, %c0_i32, %c0_i32_0, %c0_i32_1 : i32, i32, i32, i32
  }
  func.func @transform_1(%arg0: i32) -> (i32, i32) {
    %c0_i32 = arith.constant 0 : i32
    %c0_i32_0 = arith.constant 0 : i32
    %c0_i32_1 = arith.constant 0 : i32
    return %c0_i32, %c0_i32_0 : i32, i32
  }
}

</mosaic_0001>

<sc_bundles>
// kernel: kernel.5.cloned.1.call-start
scs
__scs_entry_jumppad:
0x0: {  	(pc) =	sbr.rel $0x88, $3  }
0x1: {  	(tag) =	ssettag $0x0;
	lr =	simm.s32 $0x1  }
0x2: {  	[smem:$0x3F9F] =	sst lr;
	_ =	strace $0xD0000000  }
0x3: {  	_ = 	snop  }
0x4: {  	_ = 	snop  }
0x5: {  	_ = 	snop  }
0x6: {  	_ = 	snop  }
0x7: {  	_ = 	snop  }
__scs_overlays_trampoline_lowered:
0x8: {  	[smem:$0x3FAE] =	sst s0  }
0x9: {  	[smem:$0x3FAF] =	sst s1  }
0xa: {  	[smem:$0x3FB0] =	sst s2  }
0xb: {  	[smem:$0x3FB1] =	sst s3  }
0xc: {  	[smem:$0x3FB2] =	sst s4  }
0xd: {  	[smem:$0x3FB3] =	sst s5  }
0xe: {  	[smem:$0x3FB4] =	sst s6  }
0xf: {  	[smem:$0x3FB5] =	sst s7  }
0x10: {  	[smem:$0x3FB6] =	sst s8  }
0x11: {  	[smem:$0x3FB7] =	sst s9;
	s0 =	simm.s32 @!p0 $0x0  }
0x12: {  	s1 =	sld [smem:$0x3F9D];
	s0 =	simm.s32 @p0 $0x1  }
0x13: {  	[smem:$0x3FB8] =	sst s0;
	s0 =	simm.s32 @!p1 $0x0  }
0x14: {  	s2 =	sld [smem:$0x3F9C];
	s0 =	simm.s32 @p1 $0x1  }
0x15: {  	[smem:$0x3FB9] =	sst s0;
	s0 =	simm.s32 @!p2 $0x0  }
0x16: {  	s3 =	sld [smem:$0x3FDB];
	s0 =	simm.s32 @p2 $0x1  }
0x17: {  	s4 =	simm.s32 $0x1BF5;
	[smem:$0x3FBB] =	sst s0  }
0x18: {  	s0 =	sld [smem:$0x3F9E];
	_ =	swait.ge [sflag:s4], $0x0  }
0x19: {  	s7 =	sld [smem:$0x3F9F]  }
0x1a: {  	s8 =	sadd.s32 $0xFFFFE003, lr  }
0x1b: {  	s9 =	sadd.s32 $0xFFFFFEF7, lr;
	s5 =	simm.s32 $0xFFFFFFFF;
	p2 =	slt.u32 s8, $0xFFFFF086  }
0x1c: {  	p1 =	slt.u32 s9, $0xF7A;
	s5 =	simm.s32 @!p2 $0x0  }
0x1d: {  	s5 =	simm.s32 @p1 $0x1;
	p0 =	seq.s32 s7, s2  }
0x1e: {  	s7 =	smul.u32 @!p0 $0xF7A, s2;
	p2 =	seq.s32 @!p0 s5, $0x0  }
0x1f: {  	s9 =	smul.u32 $0xF7A, s1;
	s8 =	simm.s32 @!p0 $0x1BF5;
	p2 =	por !p2, p0  }
0x20: {  	[sflag:s8] =	ssyncset.s32 @!p0 $0xFFFFF086;
	s6 =	sadd.s32 @!p0 s3, s7;
	s7 =	simm.s32 @!p0 $0x108  }
0x21: {  	s3 =	sadd.s32 s3, s9;
	s6 =	sadd.s32 @!p0 $0x88, s6;
	s7 =	simm.s32 @p2 $0x1082  }
0x22: {  	[simem:s7], [sflag:s8] =	dma.local @!p0 [hbm:s6], $0xF7A  }
0x23: {  	s9 =	sor.u32 $0xD0000000, s2;
	s6 =	simm.s32 $0x108;
	_ =	swait.ge @!p0 [sflag:s8], $0x0  }
0x24: {  	s3 =	sadd.s32 $0x88, s3;
	s6 =	simm.s32 @!p1 $0x1082;
	[sflag:s4] =	ssyncset.s32 $0xFFFFF086  }
0x25: {  	[simem:s6], [sflag:s4] =	dma.local [hbm:s3], $0xF7A  }
0x26: {  	[smem:$0x3F9F] =	sst s1;
	(tag) =	ssettag s2;
	_ =	strace s9  }
0x27: {  	s1 =	sld [smem:$0x3FAF]  }
0x28: {  	s2 =	sld [smem:$0x3FB0]  }
0x29: {  	s4 =	sld [smem:$0x3FB2]  }
0x2a: {  	p0 =	seq.s32 s5, $0x0;
	s5 =	sld [smem:$0x3FB3]  }
0x2b: {  	s6 =	sld [smem:$0x3FB4]  }
0x2c: {  	s7 =	sld [smem:$0x3FB5]  }
0x2d: {  	s3 =	simm.s32 $0x108;
	s8 =	sld [smem:$0x3FB6]  }
0x2e: {  	s3 =	simm.s32 @!p0 $0x1082;
	s9 =	sld [smem:$0x3FB7]  }
0x2f: {  	lr =	sadd.s32 s0, s3;
	s0 =	sld [smem:$0x3FAE]  }
0x30: {  	s3 =	sld [smem:$0x3FB1]  }
0x31: {  	[smem:$0x3FBA] =	sst s10  }
0x32: {  	s10 =	sld [smem:$0x3FB8];
	_ =	sdelay $0x3  }
0x33: {  	p0 =	seq.s32 s10, $0x1;
	s10 =	sld [smem:$0x3FBA];
	_ =	sdelay $0x3  }
0x34: {  	[smem:$0x3FBA] =	sst s10  }
0x35: {  	s10 =	sld [smem:$0x3FB9];
	_ =	sdelay $0x3  }
0x36: {  	p1 =	seq.s32 s10, $0x1;
	s10 =	sld [smem:$0x3FBA];
	_ =	sdelay $0x3  }
0x37: {  	[smem:$0x3FBA] =	sst s10  }
0x38: {  	s10 =	sld [smem:$0x3FBB]  }
0x39: {  	_ = 	snop;
	(pc) =	sbr.ind lr, $3  }
0x3a: {  	_ = 	snop  }
0x3b: {  	_ = 	snop  }
0x3c: {  	p2 =	seq.s32 s10, $0x1;
	s10 =	sld [smem:$0x3FBA]  }
0x3d: {  	_ =	shalt  }
0x3e: {  	_ =	shalt  }
0x3f: {  	_ =	shalt  }
0x40: {  	_ =	shalt  }
0x41: {  	_ =	shalt  }
0x42: {  	_ =	shalt  }
0x43: {  	_ =	shalt  }
0x44: {  	_ =	shalt  }
0x45: {  	_ =	shalt  }
0x46: {  	_ =	shalt  }
0x47: {  	_ =	shalt  }
0x48: {  	_ =	shalt  }
0x49: {  	_ =	shalt  }
0x4a: {  	_ =	shalt  }
0x4b: {  	_ =	shalt  }
0x4c: {  	_ =	shalt  }
0x4d: {  	_ =	shalt  }
0x4e: {  	_ =	shalt  }
0x4f: {  	_ =	shalt  }
0x50: {  	_ =	shalt  }
0x51: {  	_ =	shalt  }
0x52: {  	_ =	shalt  }
0x53: {  	_ =	shalt  }
0x54: {  	_ =	shalt  }
0x55: {  	_ =	shalt  }
0x56: {  	_ =	shalt  }
0x57: {  	_ =	shalt  }
0x58: {  	_ =	shalt  }
0x59: {  	_ =	shalt  }
0x5a: {  	_ =	shalt  }
0x5b: {  	_ =	shalt  }
0x5c: {  	_ =	shalt  }
0x5d: {  	_ =	shalt  }
0x5e: {  	_ =	shalt  }
0x5f: {  	_ =	shalt  }
0x60: {  	_ =	shalt  }
0x61: {  	_ =	shalt  }
0x62: {  	_ =	shalt  }
0x63: {  	_ =	shalt  }
0x64: {  	_ =	shalt  }
0x65: {  	_ =	shalt  }
0x66: {  	_ =	shalt  }
0x67: {  	_ =	shalt  }
0x68: {  	_ =	shalt  }
0x69: {  	_ =	shalt  }
0x6a: {  	_ =	shalt  }
0x6b: {  	_ =	shalt  }
0x6c: {  	_ =	shalt  }
0x6d: {  	_ =	shalt  }
0x6e: {  	_ =	shalt  }
0x6f: {  	_ =	shalt  }
0x70: {  	_ =	shalt  }
0x71: {  	_ =	shalt  }
0x72: {  	_ =	shalt  }
0x73: {  	_ =	shalt  }
0x74: {  	_ =	shalt  }
0x75: {  	_ =	shalt  }
0x76: {  	_ =	shalt  }
0x77: {  	_ =	shalt  }
0x78: {  	_ =	shalt  }
0x79: {  	_ =	shalt  }
0x7a: {  	_ =	shalt  }
0x7b: {  	_ =	shalt  }
0x7c: {  	_ =	shalt  }
0x7d: {  	_ =	shalt  }
0x7e: {  	_ =	shalt  }
0x7f: {  	_ =	shalt  }
0x80: {  	_ =	shalt  }
0x81: {  	_ =	shalt  }
0x82: {  	_ =	shalt  }
0x83: {  	_ =	shalt  }
0x84: {  	_ =	shalt  }
0x85: {  	_ =	shalt  }
0x86: {  	_ =	shalt  }
0x87: {  	_ =	shalt  }
.Lfunc_end0:
.L_simem_size_0:
called_computation_lowered:
.L_overlay_start_0:
0x88: {  	s2 =	sld [smem:$0x3FD9]  }
0x89: {  	s3 =	sld [smem:$0x3FFE];
	_ =	sdelay $0x1  }
0x8a: {  	s1 =	srdreg.scid  }
0x8b: {  	s0 =	sand.u32 $0x1, s1  }
0x8c: {  	s17 =	sshll.u32 s0, $0xA;
	s2 =	sadd.s32 s3, s2  }
0x8d: {  	s2 =	sadd.s32 s2, s17  }
0x8e: {  	[smem:$0x3FC6] =	sst s2  }
0x8f: {  	_ = 	snop  }
0x90: {  	s2 =	sld [smem:$0x3FC9];
	(tm) =	ssettm $0x1  }
0x91: {  	s18 =	sld [smem:$0x3FFB];
	_ =	sdelay $0x3  }
0x92: {  	_ =	strace s18  }
0x93: {  	s3 =	sld [smem:$0x3FFC];
	_ =	sdelay $0x3  }
0x94: {  	_ =	strace s3  }
0x95: {  	s3 =	sld [smem:$0x3FFD];
	_ =	sdelay $0x3  }
0x96: {  	_ =	strace s3  }
0x97: {  	_ =	strace $0x8FFFFFFF  }
0x98: {  	s19 =	sld [smem:$0x3FDB];
	_ =	sdelay $0x1  }
0x99: {  	s4 =	simm.s32 $_scs_section_size  }
0x9a: {  	s5 =	simm.s32 $_size__tile_overlayer_lowered;
	s6 =	simm.s32 $_tile_overlayer_lowered  }
0x9b: {  	s22 =	simm.s32 $0x1BFF;
	s21 =	sshll.u32 s6, $0x1;
	s3 =	sadd.s32 s4, s19  }
0x9c: {  	s7 =	simm.s32 $0x0;
	s20 =	sshll.u32 s5, $0x1;
	s5 =	sadd.s32 s21, s3  }
0x9d: {  	[timem:s7], [sflag:s22] =	dma.local [hbm:s5], s20  }
0x9e: {  	_ =	swait.ge [sflag:s22], s20  }
0x9f: {  	s4 =	ssub.s32 $0x0, s20;
	[sflag:s22] =	ssyncset.done $0x0  }
0xa0: {  	[sflag:s22] =	ssyncadd.s32 s4;
	_ =	sdelay $0x1  }
0xa1: {  	s23 =	simm.s32 $0x1B8B  }
0xa2: {  	_ =	swait.ge [sflag:s23], $0x1  }
0xa3: {  	[sflag:s23] =	ssyncset.done $0x0  }
0xa4: {  	s25 =	simm.s32 $0x1B8E;
	s24 =	sld [smem:$0x3FFE];
	[sflag:s23] =	ssyncadd.s32 $0xFFFFFFFF  }
0xa5: {  	s26 =	simm.s32 $execute0_lowered;
	[smem:$0x3FD2] =	sst s25  }
0xa6: {  	s5 =	sshll.u32 s26, $0x1;
	_ =	strace $0x80000046;
	[dreg:$0x1] =	wrdreg $0xFFFFFFFF  }
0xa7: {  	s28 =	simm.s32 $_size_execute0_lowered;
	s3 =	sadd.s32 s3, s5;
	[dreg:$0x0] =	wrdreg $0x0  }
0xa8: {  	s5 =	sshll.u32 s28, $0x1;
	[dreg:$0x2] =	wrdreg s3  }
0xa9: {  	[dreg:$0x3] =	wrdreg s5  }
0xaa: {  	[dreg:$0x4] =	wrdreg $0xC0  }
0xab: {  	_ =	task [dreg:s7], $0x5FFFF  }
0xac: {  	[dreg:$0x1] =	wrdreg $0xFFFFFFFF  }
0xad: {  	[dreg:$0x0] =	wrdreg $0x60  }
0xae: {  	[dreg:$0x2] =	wrdreg s2  }
0xaf: {  	[dreg:$0x3] =	wrdreg s24  }
0xb0: {  	[dreg:$0x4] =	wrdreg $0x9  }
0xb1: {  	_ =	task.clear_ibuf [dreg:s7], $0x5FFFF;
	_ =	strace $0x90000046  }
0xb2: {  	s29 =	simm.s32 $0x9;
	_ =	strace $0x80000048  }
0xb3: {  	_ =	swait.ge [sflag:s29], $0x1  }
0xb4: {  	[sflag:s29] =	ssyncadd.s32 $0xFFFFFFFF  }
0xb5: {  	_ =	strace $0x90000048  }
0xb6: {  	_ =	sfence  }
0xb7: {  	s30 =	sld [smem:$0x0];
	_ =	sdelay $0x2  }
0xb8: {  	s31 =	sshll.u32 s1, $0xD;
	s1 =	sshrl.u32 s1, $0x2  }
0xb9: {  	s3 =	sand.u32 $0x4000, s31;
	s1 =	sadd.s32 s1, s30  }
0xba: {  	s0 =	sor.u32 s3, s0;
	s1 =	sshll.u32 s1, $0x11  }
0xbb: {  	s0 =	sor.u32 s1, s0  }
0xbc: {  	s0 =	sadd.s32 $0x8F2B, s0  }
0xbd: {  	[sflag:s0] =	ssyncadd.remote.s32 $0x1  }
0xbe: {  	_ =	sfence.sel $0xFFFF  }
0xbf: {  	[dreg:$0x0] =	wrdreg $0xFFFFFFFF;
	(pc) =	sbr.abs _section_cstart, $3  }
0xc0: {  	[dreg:$0x1] =	wrdreg $0xFFFFFFFF  }
0xc1: {  	_ =	task.clear_ibuf [dreg:s7], $0x2FFFF;
	_ =	strace $0x9FFFFFFF  }
0xc2: {  	(tm) =	ssettm $0x7FFFFFFF  }
0xc3: {  	_ =	shalt  }
tec
execute0_lowered:
.L_overlay_start_1:
0x0: {  	(tag) =	ssettag $0x1  }
0x1: {  	s1 =	rddreg [dreg:$0x0]  }
0x2: {  	v0 =	vimm.s32 $0x54321006;
	s2 =	srdreg.scid;
	s0 =	stileid.u32;
	vm0 =	vcmask $0x3F24  }
0x3: {  	s4 =	rddreg [dreg:$0x1];
	s3 =	simm.s32 $0x0;
	vm1 =	vmmov $0x7;
	v2 =	vimm.s32 $0x480;
	vm2 =	vcmask $0xB00;
	s13 =	simm.s32 $0x100  }
0x4: {  	v3 =	vimm.s32 $0x1503F;
	v4 =	vimm.s32 $0x134D3;
	vm3 =	vcmask $0x3B38;
	s14 =	simm.s32 $0x2100;
	s15 =	simm.s32 $0x0;
	s5 =	sand.u32 $0x1, s2  }
0x5: {  	v1 =	vunpack.c.l.s4.s8 v0;
	s6 =	sshll.u32 s0, $0x1;
	s2 =	rddreg [dreg:$0x2];
	v2 =	vsel vm2, $0x0, v2;
	vm2 =	vcmask $0x170C;
	s8 =	smul.u32 $0x38, s0  }
0x6: {  	v0 =	vlaneseq.u32;
	[smem:$0x7FF] =	sst s3;
	s12 =	smul.u32 $0x1C00, s0;
	s6 =	sor.u32 s5, s6;
	v2 =	vsel vm2, $0x80, v2;
	vm2 =	vcmask $0x2318  }
0x7: {  	v3 =	vunpack.c.l.s2.s4 v3;
	s11 =	sshll.u32 s0, $0x7;
	_ =	strace $0x80000047;
	s6 =	smul.u32 $0x3, s6;
	v2 =	vsel vm2, $0x100, v2;
	vm2 =	vcmask $0x2724  }
0x8: {  	v4 =	vunpack.c.l.s2.s4 v4;
	s7 =	sshll.u32 s5, $0x6;
	s29 =	ssub.s32 $0x2, s5;
	s9 =	smul.u32 $0x1C, s5;
	v2 =	vsel vm2, $0x180, v2;
	vm2 =	vcmask $0x2B28  }
0x9: {  	s31 =	smul.u32 $0xE00, s5;
	s10 =	sshrl.u32 s29, $0x1;
	v3 =	vunpack.c.l.s4.s8 v3;
	s6 =	sadd.s32 s6, s4;
	v2 =	vsel vm2, $0x200, v2;
	vm2 =	vcmask $0x2F2C  }
0xa: {  	v4 =	vunpack.c.l.s4.s8 v4;
	s4 =	sadd.s32 s7, s4;
	s7 =	ssub.s32 s29, s10;
	s10 =	simm.s32 $0x1;
	v5 =	vsel vm2, $0x280, v2;
	vm2 =	vcmask $0x3330  }
0xb: {  	v1 =	vunpack.c.0.s8.s32 v1;
	s30 =	sadd.s32 s11, s4;
	s4 =	sadd.s32 $0x800, s6;
	s6 =	smax.u32 s7, $0x1;
	v5 =	vsel vm2, $0x300, v5;
	vm2 =	vcmask $0x3734  }
0xc: {  	s7 =	sadd.s32 s9, s8;
	s8 =	sadd.s32 s31, s12;
	s9 =	simm.s32 $0x2;
	v2 =	vunpack.c.0.s8.s32 v3;
	v3 =	vunpack.c.0.s8.s32 v4;
	v4 =	vsel vm2, $0x380, v5  }
0xd: {  	s11 =	simm.s32 $0x40;
	s12 =	simm.s32 $0x80;
	s5 =	sadd.s32 $0xA00, s30;
	vm2 =	vmmov $0x7fff;
	v5 =	vimm.s32 $0x0;
	v4 =	vsel vm3, $0x400, v4  }
.LBB2_1:
0xe: {  	[tilespmem:s3], [sflag:$0x2] =	stream.linear.gather [hbm4b:s4+s3], $0x18, $0x38;
	[tilespmem:$0x2300] =	vst v63  }
0xf: {  	_ =	swait.ge [sflag:s9], $0x18  }
0x10: {  	[sflag:s9] =	ssyncset.done $0x0  }
0x11: {  	s16 =	simm.s32 $0x0;
	[sflag:s9] =	ssyncadd.s32 $0xFFFFFFE8  }
0x12: {  	v6 =	vld [tilespmem:s16+$0x0];
	_ =	sdelay $0x4  }
0x13: {  	(v2sf) =	vpush v6, $0x2;
	_ =	sdelay $0xe  }
0x14: {  	s31 =	spop (v2sf)  }
0x15: {  	s17 =	scvt.f32.s32 s31;
	_ =	sdelay $0x1  }
0x16: {  	s18 =	scvt.s32.f32 s17;
	_ =	sdelay $0x1  }
0x17: {  	p0 =	slt.f32 s31, s18  }
0x18: {  	s16 =	simm.s32 $0x1  }
0x19: {  	s16 =	simm.s32 @!p0 $0x0  }
0x1a: {  	s16 =	ssub.s32 s17, s16  }
0x1b: {  	s17 =	sadd.s32 $0xFFFFFFFF, s16  }
0x1c: {  	p0 =	sgt.s32 s16, $0x0;
	v6 =	vadd.s32 s17, v0  }
0x1d: {  	v7 =	vadd.s32 s7, v1;
	s16 =	simm.s32 @!p0 $0x0;
	vm3 =	vgt.s32 v6, $0x0  }
0x1e: {  	v7 =	vshll.u32 v7, $0x7;
	s16 =	smin.u32 s16, $0x7F;
	v6 =	vnsel vm3, $0x0, v6  }
0x1f: {  	v7 =	vor.u32 s16, v7;
	v6 =	vmin.u32 v6, $0x7F  }
0x20: {  	v7 =	vsel vm0, s8, v7;
	v6 =	vor.u32 s8, v6  }
0x21: {  	s20 =	simm.s32 $0x6;
	s19 =	simm.s32 $0x30;
	v6 =	vsel vm1, v6, v7  }
0x22: {  	s18 =	smov.u32 s7;
	s17 =	smov.u32 s8;
	s16 =	simm.s32 $0x80;
	[tilespmem:s12+$0x0] =	vst v6  }
.LBB2_2:
0x23: {  	p0 =	sne.s32 s19, $0x48;
	v6 =	vld [tilespmem:s20+$0x0];
	_ =	sdelay $0x4  }
0x24: {  	(v2sf) =	vpush v6, $0x2;
	_ =	sdelay $0xe  }
0x25: {  	s20 =	spop (v2sf)  }
0x26: {  	s21 =	scvt.f32.s32 s20;
	_ =	sdelay $0x1  }
0x27: {  	s22 =	scvt.s32.f32 s21;
	_ =	sdelay $0x1  }
0x28: {  	p1 =	slt.f32 s20, s22  }
0x29: {  	s20 =	simm.s32 $0x1  }
0x2a: {  	s20 =	simm.s32 @!p1 $0x0  }
0x2b: {  	s20 =	ssub.s32 s21, s20  }
0x2c: {  	s21 =	sadd.s32 $0xFFFFFFFF, s20  }
0x2d: {  	s18 =	sadd.s32 $0x7, s18;
	p1 =	sgt.s32 s20, $0x0;
	v6 =	vadd.s32 s21, v0  }
0x2e: {  	v7 =	vadd.s32 s18, v1;
	s20 =	simm.s32 @!p1 $0x0;
	vm3 =	vgt.s32 v6, $0x0  }
.Ltmp0:
0x2f: {  	v7 =	vshll.u32 v7, $0x7;
	s20 =	smin.u32 s20, $0x7F;
	v6 =	vnsel vm3, $0x0, v6;
	(pc) =	sbr.rel @p0 .LBB2_2-.Ltmp0, $4  }
0x30: {  	s17 =	sadd.s32 $0x380, s17;
	v7 =	vor.u32 s20, v7;
	v6 =	vmin.u32 v6, $0x7F  }
0x31: {  	v7 =	vsel vm0, s17, v7;
	v6 =	vor.u32 s17, v6  }
0x32: {  	s16 =	sadd.s32 $0x10, s16;
	v6 =	vsel vm1, v6, v7  }
0x33: {  	s20 =	sshra.s32 s19, $0x2;
	s19 =	sadd.s32 $0x18, s19;
	[tilespmem:s16+$0x0] =	vst v6  }
0x34: {  	v6 =	vld [tilespmem:s20+$0x0];
	_ =	sdelay $0x4  }
0x35: {  	(v2sf) =	vpush v6, $0x2;
	_ =	sdelay $0xe  }
0x36: {  	s19 =	spop (v2sf)  }
0x37: {  	s23 =	scvt.f32.s32 s19;
	_ =	sdelay $0x1  }
0x38: {  	s21 =	scvt.s32.f32 s23;
	_ =	sdelay $0x1  }
0x39: {  	p0 =	slt.f32 s19, s21  }
0x3a: {  	s19 =	simm.s32 $0x1  }
0x3b: {  	s19 =	simm.s32 @!p0 $0x0  }
0x3c: {  	s19 =	ssub.s32 s23, s19  }
0x3d: {  	s20 =	sadd.s32 $0xFFFFFFFF, s19  }
0x3e: {  	s18 =	sadd.s32 $0x7, s18;
	p0 =	sgt.s32 s19, $0x0;
	v6 =	vadd.s32 s20, v0  }
0x3f: {  	v7 =	vadd.s32 s18, v1;
	s19 =	simm.s32 @!p0 $0x0;
	vm3 =	vgt.s32 v6, $0x0  }
0x40: {  	v7 =	vshll.u32 v7, $0x7;
	s24 =	smin.u32 s19, $0x7F;
	v6 =	vnsel vm3, $0x0, v6  }
0x41: {  	s17 =	sadd.s32 $0x380, s17;
	v7 =	vor.u32 s24, v7;
	v6 =	vmin.u32 v6, $0x7F  }
0x42: {  	v7 =	vsel vm0, s17, v7;
	v6 =	vor.u32 s17, v6  }
0x43: {  	s16 =	sadd.s32 $0x10, s16;
	v6 =	vsel vm1, v6, v7  }
0x44: {  	[tilespmem:s16+$0x0] =	vst v6  }
0x45: {  	[tilespmem:s13], [sflag:$0x1] =	stream.indirect.gather [hbm4b:s1+s11], $0x80, s12, s11, $0xb8;
	[tilespmem:$0x2300] =	vst v63  }
0x46: {  	_ =	swait.ge [sflag:s10], $0x2000  }
0x47: {  	[sflag:s10] =	ssyncset.done $0x0  }
0x48: {  	s25 =	simm.s32 $0x0;
	[sflag:s10] =	ssyncadd.s32 $0xFFFFE000  }
0x49: {  	v6 =	vld [tilespmem:s25+$0x0];
	_ =	sdelay $0x4  }
0x4a: {  	(v2sf) =	vpush v6, $0x2;
	_ =	sdelay $0x1  }
0x4b: {  	(v2sf) =	vpush v6, $0x1;
	_ =	sdelay $0xc  }
0x4c: {  	s26 =	spop (v2sf)  }
0x4d: {  	s28 =	scvt.f32.s32 s26  }
0x4e: {  	s29 =	spop (v2sf)  }
0x4f: {  	s30 =	scvt.f32.s32 s29;
	s31 =	scvt.s32.f32 s28  }
0x50: {  	_ = 	snop  }
0x51: {  	s22 =	scvt.s32.f32 s30;
	p0 =	slt.f32 s26, s31  }
0x52: {  	s17 =	simm.s32 $0x1  }
0x53: {  	p1 =	slt.f32 s29, s22;
	s17 =	simm.s32 @!p0 $0x0  }
0x54: {  	s18 =	simm.s32 $0x1;
	s17 =	ssub.s32 s28, s17  }
0x55: {  	s18 =	simm.s32 @!p1 $0x0;
	v6 =	vadd.s32 s17, v2  }
0x56: {  	s18 =	ssub.s32 s30, s18;
	v6 =	vor.u32 s17, v6  }
0x57: {  	v7 =	vadd.s32 s18, v3;
	v6 =	vor.u32 s18, v6  }
0x58: {  	v8 =	vmov s25;
	vm3 =	vgt.s32 v7, $0x0;
	v6 =	vor.u32 v7, v6  }
0x59: {  	v7 =	vnsel vm3, $0x0, v7;
	vm4 =	vlt.u32 v6, $0x80;
	v6 =	vshll.u32 v8, $0x7  }
0x5a: {  	v7 =	vmin.u32 v7, $0x7F;
	vm3 =	vmand vm4, vm2;
	v6 =	vor.u32 v4, v6  }
0x5b: {  	v6 =	vor.u32 v6, v7;
	_ =	sdelay $0x4  }
0x5c: {  	v6 =	vld.idx.msk [tilespmem:v6+s13+$0x0], vm3;
	_ =	sdelay $0x3  }
0x5d: {  	v7 =	vsel vm3, $0x3F800000, v5  }
0x5e: {  	v6 =	vmul.f32 v7, v6  }
0x5f: {  	s16 =	simm.s32 $0x2100  }
0x60: {  	s18 =	simm.s32 $0x6;
	[tilespmem:s16+$0x0] =	vst v6  }
0x61: {  	s19 =	simm.s32 $0x20;
	s17 =	simm.s32 $0x10;
	v6 =	vld [tilespmem:s18+$0x0]  }
.LBB2_4:
0x62: {  	p0 =	sne.s32 s19, $0x30;
	_ =	sdelay $0x3  }
0x63: {  	(v2sf) =	vpush v6, $0x2;
	_ =	sdelay $0x1  }
0x64: {  	(v2sf) =	vpush v6, $0x1;
	_ =	sdelay $0xc  }
0x65: {  	s20 =	spop (v2sf)  }
0x66: {  	s21 =	scvt.f32.s32 s20  }
0x67: {  	s22 =	spop (v2sf)  }
0x68: {  	s23 =	scvt.f32.s32 s22;
	s24 =	scvt.s32.f32 s21  }
0x69: {  	_ = 	snop  }
0x6a: {  	s25 =	scvt.s32.f32 s23;
	p1 =	slt.f32 s20, s24  }
0x6b: {  	s20 =	simm.s32 $0x1  }
0x6c: {  	p2 =	slt.f32 s22, s25;
	s20 =	simm.s32 @!p1 $0x0  }
0x6d: {  	s20 =	ssub.s32 s21, s20;
	s21 =	simm.s32 $0x1  }
0x6e: {  	s21 =	simm.s32 @!p2 $0x0;
	v6 =	vadd.s32 s20, v2  }
0x6f: {  	s21 =	ssub.s32 s23, s21;
	v6 =	vor.u32 s20, v6  }
0x70: {  	v7 =	vadd.s32 s21, v3;
	v6 =	vor.u32 s21, v6  }
0x71: {  	v8 =	vmov s17;
	s17 =	smov.u32 s19;
	v6 =	vor.u32 v7, v6;
	vm3 =	vgt.s32 v7, $0x0  }
0x72: {  	vm4 =	vlt.u32 v6, $0x80;
	v6 =	vshll.u32 v8, $0x7;
	v7 =	vnsel vm3, $0x0, v7  }
0x73: {  	vm3 =	vmand vm4, vm2;
	v7 =	vmin.u32 v7, $0x7F;
	v6 =	vor.u32 v4, v6  }
0x74: {  	v6 =	vor.u32 v6, v7;
	_ =	sdelay $0x4  }
0x75: {  	v6 =	vld.idx.msk [tilespmem:v6+s13+$0x0], vm3;
	_ =	sdelay $0x4  }
.Ltmp1:
0x76: {  	v7 =	vsel vm3, $0x3F800000, v5;
	(pc) =	sbr.rel @p0 .LBB2_4-.Ltmp1, $4  }
0x77: {  	v6 =	vmul.f32 v7, v6  }
0x78: {  	s16 =	sadd.s32 $0x80, s16  }
0x79: {  	s18 =	sadd.s32 $0x6, s18;
	[tilespmem:s16+$0x0] =	vst v6  }
0x7a: {  	s19 =	sadd.s32 $0x10, s19;
	v6 =	vld [tilespmem:s18+$0x0]  }
0x7b: {  	_ =	sdelay $0x3  }
0x7c: {  	(v2sf) =	vpush v6, $0x2;
	_ =	sdelay $0x1  }
0x7d: {  	(v2sf) =	vpush v6, $0x1;
	_ =	sdelay $0xc  }
0x7e: {  	s18 =	spop (v2sf)  }
0x7f: {  	s19 =	scvt.f32.s32 s18  }
0x80: {  	s20 =	spop (v2sf)  }
0x81: {  	s21 =	scvt.f32.s32 s20;
	s22 =	scvt.s32.f32 s19  }
0x82: {  	_ = 	snop  }
0x83: {  	s23 =	scvt.s32.f32 s21;
	p0 =	slt.f32 s18, s22  }
0x84: {  	s18 =	simm.s32 $0x1  }
0x85: {  	p1 =	slt.f32 s20, s23;
	s18 =	simm.s32 @!p0 $0x0  }
0x86: {  	s18 =	ssub.s32 s19, s18;
	s19 =	simm.s32 $0x1  }
0x87: {  	s19 =	simm.s32 @!p1 $0x0;
	v6 =	vadd.s32 s18, v2  }
0x88: {  	s19 =	ssub.s32 s21, s19;
	v6 =	vor.u32 s18, v6  }
0x89: {  	v7 =	vadd.s32 s19, v3;
	v6 =	vor.u32 s19, v6  }
0x8a: {  	v8 =	vmov s17;
	v6 =	vor.u32 v7, v6;
	vm3 =	vgt.s32 v7, $0x0  }
0x8b: {  	vm4 =	vlt.u32 v6, $0x80;
	v6 =	vshll.u32 v8, $0x7;
	v7 =	vnsel vm3, $0x0, v7  }
0x8c: {  	vm3 =	vmand vm4, vm2;
	v7 =	vmin.u32 v7, $0x7F;
	v6 =	vor.u32 v4, v6  }
0x8d: {  	v6 =	vor.u32 v6, v7;
	_ =	sdelay $0x4  }
0x8e: {  	v6 =	vld.idx.msk [tilespmem:v6+s13+$0x0], vm3;
	_ =	sdelay $0x3  }
0x8f: {  	v7 =	vsel vm3, $0x3F800000, v5  }
0x90: {  	s15 =	sadd.s32 $0x1, s15;
	v6 =	vmul.f32 v7, v6  }
0x91: {  	s16 =	sadd.s32 $0x80, s16;
	p0 =	sne.s32 s15, s6  }
.Ltmp2:
0x92: {  	[tilespmem:s16+$0x0] =	vst v6;
	(pc) =	sbr.rel @p0 .LBB2_1-.Ltmp2, $4  }
0x93: {  	[hbm4b:s5+s3] =	stream.linear.scatter [tilespmem:s14], [sflag:$0x2], $0x200, $0x38;
	[tilespmem:$0x2300] =	vst v63  }
0x94: {  	_ =	swait.ge [sflag:s9], $0x200  }
0x95: {  	[sflag:s9] =	ssyncset.done $0x0  }
0x96: {  	[sflag:s9] =	ssyncadd.s32 $0xFFFFFE00  }
0x97: {  	_ =	sfence.sel $0x180000  }
0x98: {  	[bflag:$0x0] =	sbarrier.arrive $0xFFFF  }
0x99: {  	p0 =	sne.s32 s0, $0x0;
	_ =	strace $0x90000047  }
0x9a: {  	s0 =	sadd.s32 @!p0 $0x100000, s2;
	[bflag:$0x2] =	sbarrier.arrive $0xFFFF  }
0x9b: {  	[sflag:s0] =	ssyncadd.tile.s32 @!p0 $0x1;
	_ =	shalt  }
.Lfunc_end2:
_tile_overlayer_lowered:
.L_overlay_start_2:
0x9c: {  	(tag) =	ssettag $0x2  }
0x9d: {  	s0 =	rddreg [dreg:$0x0];
	s2 =	stileid.u32  }
0x9e: {  	s1 =	rddreg [dreg:$0x1];
	p0 =	sne.s32 s2, $0x0  }
0x9f: {  	s3 =	rddreg [dreg:$0x2];
	[bflag:$0x3] =	sbarrier.arrive $0xFFFF;
	s2 =	simm.s32 @!p0 $0x1C02  }
0xa0: {  	[timem:s3], [sflag:s2] =	dma.local @!p0 [hbm:s0], s1  }
0xa1: {  	s0 =	simm.s32 @!p0 $0x2  }
0xa2: {  	_ =	swait.ge @!p0 [sflag:s0], s1  }
0xa3: {  	s1 =	ssub.s32 @!p0 $0x0, s1;
	[sflag:s0] =	ssyncset.done @!p0 $0x0  }
0xa4: {  	[sflag:s0] =	ssyncadd.s32 @!p0 s1  }
0xa5: {  	[bflag:$0x3] =	sbarrier.arrive $0xFFFF  }
0xa6: {  	_ =	shalt  }

</sc_bundles>
